<compile_context>
chip_gen: v7x
topology: tpu7x:2x2x1
jax: 0.10.2.dev20260603
libtpu: 0.0.44.dev20260713+nightly
codegen_flags: <defaults>
</compile_context>

<pallas_src>
import functools

import jax
import jax.numpy as jnp
from jax import lax
from jax.experimental import pallas as pl
from jax.experimental.pallas import tpu as pltpu
from jax.experimental.pallas import tpu_sc as plsc

N = 10000
E = 320000
D_IN = 128
D_H = 64
D_OUT = 32
D_T1 = 80
LANES = 128

NC = 2
NS = 16
NW = NC * NS
EPW = E // NW
BSZ = 80
NBLK = EPW // BSZ
RPT = N // NS
NB = 5

_SC_MESH = plsc.VectorSubcoreMesh(
    core_axis_name="c", subcore_axis_name="s", num_cores=NC, num_subcores=NS)


def _make_segsum(D, table_w, stage):

  ZF = RPT // BSZ
  ZR = RPT - ZF * BSZ

  def body(table, ei, out, idx_s, idx_d, rows, tbl, acc, gsem, ssem, isem):
    c = lax.axis_index("c")
    s = lax.axis_index("s")
    wid = s * NC + c
    e0 = wid * EPW
    pltpu.sync_copy(ei.at[0, pl.ds(e0, EPW)], idx_s)

    def iload(j, carry):
      pltpu.async_copy(ei.at[1, pl.ds(e0 + j * BSZ, BSZ)], idx_d.at[j], isem)
      return carry

    lax.fori_loop(0, NBLK, iload, 0)
    r0 = s * RPT
    if stage:
      pltpu.sync_copy(table.at[pl.ds(r0, RPT), pl.ds(0, D)],
                      tbl.at[pl.ds(r0, RPT)])
      gsrc = tbl
    else:
      gsrc = table

    def zfill(i, carry):
      r = i // (D // 16)
      k = lax.rem(i, D // 16) * 16
      rows[0, r, pl.ds(k, 16)] = jnp.zeros((16,), jnp.float32)
      return carry

    lax.fori_loop(0, BSZ * (D // 16), zfill, 0)
    for t in range(ZF):
      pltpu.sync_copy(rows.at[0], acc.at[pl.ds(r0 + t * BSZ, BSZ)])
    if ZR:
      pltpu.sync_copy(rows.at[0, pl.ds(0, ZR)],
                      acc.at[pl.ds(r0 + ZF * BSZ, ZR)])

    def idrain(j, carry):
      pltpu.make_async_copy(
          ei.at[1, pl.ds(e0 + j * BSZ, BSZ)], idx_d.at[j], isem).wait()
      return carry

    lax.fori_loop(0, NBLK, idrain, 0)
    plsc.subcore_barrier()

    for p in range(NB - 1):
      pltpu.async_copy(gsrc.at[idx_s.at[pl.ds(p * BSZ, BSZ)]], rows.at[p],
                       gsem.at[p])

    def step(j, carry):
      b0 = lax.rem(j, NB)
      bn = lax.rem(j + NB - 1, NB)

      @pl.when(j >= 1)
      def _():
        pltpu.make_async_copy(
            rows.at[bn], acc.at[idx_d.at[j - 1]], ssem.at[bn]).wait()

      @pl.when(j + NB - 1 < NBLK)
      def _():
        pltpu.async_copy(
            gsrc.at[idx_s.at[pl.ds((j + NB - 1) * BSZ, BSZ)]], rows.at[bn],
            gsem.at[bn])

      pltpu.make_async_copy(
          gsrc.at[idx_s.at[pl.ds(j * BSZ, BSZ)]], rows.at[b0],
          gsem.at[b0]).wait()
      pltpu.async_copy(rows.at[b0], acc.at[idx_d.at[j]], ssem.at[b0],
                       add=True)
      return carry

    lax.fori_loop(0, NBLK, step, 0)
    lbuf = (NBLK - 1) % NB
    pltpu.make_async_copy(
        rows.at[lbuf], acc.at[idx_d.at[NBLK - 1]], ssem.at[lbuf]).wait()
    plsc.subcore_barrier()
    pltpu.sync_copy(acc.at[pl.ds(r0, RPT)], out.at[c, pl.ds(r0, RPT),
                                                   pl.ds(0, D)])

  return pl.kernel(
      body,
      out_type=jax.ShapeDtypeStruct((NC, N, LANES), jnp.float32),
      mesh=_SC_MESH,
      scratch_types=[
          pltpu.VMEM((EPW,), jnp.int32),
          pltpu.VMEM((NBLK, BSZ), jnp.int32),
          pltpu.VMEM((NB, BSZ, D), jnp.float32),
          pltpu.VMEM_SHARED((N, D) if stage else (8, D),
                            jnp.float32),
          pltpu.VMEM_SHARED((N, D), jnp.float32),
          pltpu.SemaphoreType.DMA((NB,)),
          pltpu.SemaphoreType.DMA((NB,)),
          pltpu.SemaphoreType.DMA,
      ],
      compiler_params=pltpu.CompilerParams(use_tc_tiling_on_sc=False))


_segsum80 = _make_segsum(D_T1, D_T1, stage=False)
_segsum32 = _make_segsum(D_OUT, LANES, stage=True)

_BN = 5000
_GRID = N // _BN


def _proj1_body(x_ref, wl_ref, wr_ref, b_ref, aug_ref, r_ref):
  xb = x_ref[...]
  y = jnp.dot(xb, wl_ref[...], preferred_element_type=jnp.float32)
  aug_ref[...] = jnp.concatenate(
      [y,
       jnp.ones((_BN, 1), jnp.float32),
       jnp.zeros((_BN, D_T1 - D_H - 1), jnp.float32)], axis=1)
  r_ref[...] = (jnp.dot(xb, wr_ref[...], preferred_element_type=jnp.float32)
                + b_ref[...][None, :])


_proj1 = pl.pallas_call(
    _proj1_body,
    grid=(_GRID,),
    in_specs=[
        pl.BlockSpec((_BN, D_IN), lambda i: (i, 0)),
        pl.BlockSpec((D_IN, D_H), lambda i: (0, 0)),
        pl.BlockSpec((D_IN, D_H), lambda i: (0, 0)),
        pl.BlockSpec((D_H,), lambda i: (0,)),
    ],
    out_specs=[
        pl.BlockSpec((_BN, D_T1), lambda i: (i, 0)),
        pl.BlockSpec((_BN, D_H), lambda i: (i, 0)),
    ],
    out_shape=[
        jax.ShapeDtypeStruct((N, D_T1), jnp.float32),
        jax.ShapeDtypeStruct((N, D_H), jnp.float32),
    ],
)


def _mid_body(s_ref, r_ref, wl_ref, wr_ref, b_ref, y_ref, r2_ref, cnt_ref):
  ssum = s_ref[0, :, :D_H] + s_ref[1, :, :D_H]
  cnt = jnp.maximum(s_ref[0, :, D_H:D_H + 1] + s_ref[1, :, D_H:D_H + 1], 1.0)
  h = jnp.maximum(ssum / cnt + r_ref[...], 0.0)
  y2 = jnp.dot(h, wl_ref[...], preferred_element_type=jnp.float32)
  y_ref[...] = jnp.concatenate(
      [y2, jnp.zeros((_BN, LANES - D_OUT), jnp.float32)], axis=1)
  r2_ref[...] = (jnp.dot(h, wr_ref[...], preferred_element_type=jnp.float32)
                 + b_ref[...][None, :])
  cnt_ref[...] = cnt


_mid = pl.pallas_call(
    _mid_body,
    grid=(_GRID,),
    in_specs=[
        pl.BlockSpec((NC, _BN, LANES), lambda i: (0, i, 0)),
        pl.BlockSpec((_BN, D_H), lambda i: (i, 0)),
        pl.BlockSpec((D_H, D_OUT), lambda i: (0, 0)),
        pl.BlockSpec((D_H, D_OUT), lambda i: (0, 0)),
        pl.BlockSpec((D_OUT,), lambda i: (0,)),
    ],
    out_specs=[
        pl.BlockSpec((_BN, LANES), lambda i: (i, 0)),
        pl.BlockSpec((_BN, D_OUT), lambda i: (i, 0)),
        pl.BlockSpec((_BN, 1), lambda i: (i, 0)),
    ],
    out_shape=[
        jax.ShapeDtypeStruct((N, LANES), jnp.float32),
        jax.ShapeDtypeStruct((N, D_OUT), jnp.float32),
        jax.ShapeDtypeStruct((N, 1), jnp.float32),
    ],
)


def _fin_body(s_ref, c_ref, r_ref, o_ref):
  ssum = s_ref[0, :, :D_OUT] + s_ref[1, :, :D_OUT]
  o_ref[...] = ssum / c_ref[...] + r_ref[...]


_fin = pl.pallas_call(
    _fin_body,
    grid=(_GRID,),
    in_specs=[
        pl.BlockSpec((NC, _BN, LANES), lambda i: (0, i, 0)),
        pl.BlockSpec((_BN, 1), lambda i: (i, 0)),
        pl.BlockSpec((_BN, D_OUT), lambda i: (i, 0)),
    ],
    out_specs=pl.BlockSpec((_BN, D_OUT), lambda i: (i, 0)),
    out_shape=jax.ShapeDtypeStruct((N, D_OUT), jnp.float32),
)


@jax.jit
def _run(x, edge_index, W1_l, W1_r, b1, W2_l, W2_r, b2):
  y1aug, r1 = _proj1(x, W1_l, W1_r, b1)
  sum1 = _segsum80(y1aug, edge_index)
  y2, r2, cnt = _mid(sum1, r1, W2_l, W2_r, b2)
  sum2 = _segsum32(y2, edge_index)
  return _fin(sum2, cnt, r2)


def kernel(x, edge_index, W1_l, W1_r, b1, W2_l, W2_r, b2):
  return _run(x, edge_index, W1_l, W1_r, b1, W2_l, W2_r, b2)

# --- scband reference (transcript-rebuilt; emitter-appended) ---
"""Pipeline reference for scband-graph-sage-25958782337776 (READ-ONLY COPY).

The authoritative reference and input builder live on the scoring server;
editing this copy changes nothing except your own understanding.
"""

import jax, jax.numpy as jnp
import numpy as np

N = 10000
E = 320000
D_IN = 128
D_H = 64
D_OUT = 32


def setup_inputs(seed: int = 0) -> dict:
    key = jax.random.key(seed)
    ks = jax.random.split(key, 8)
    x = jax.random.normal(ks[0], (N, D_IN), dtype=jnp.float32)
    edge_index = jax.random.randint(ks[1], (2, E), 0, N, dtype=jnp.int32)
    W1_l = jax.random.normal(ks[2], (D_IN, D_H), dtype=jnp.float32) / np.sqrt(D_IN)
    W1_r = jax.random.normal(ks[3], (D_IN, D_H), dtype=jnp.float32) / np.sqrt(D_IN)
    b1 = jnp.zeros((D_H,), dtype=jnp.float32)
    W2_l = jax.random.normal(ks[4], (D_H, D_OUT), dtype=jnp.float32) / np.sqrt(D_H)
    W2_r = jax.random.normal(ks[5], (D_H, D_OUT), dtype=jnp.float32) / np.sqrt(D_H)
    b2 = jnp.zeros((D_OUT,), dtype=jnp.float32)
    return {"x": x, "edge_index": edge_index, "W1_l": W1_l, "W1_r": W1_r, "b1": b1,
            "W2_l": W2_l, "W2_r": W2_r, "b2": b2}


def _sage_conv(x, edge_index, W_l, W_r, b):
    # PyG SAGEConv with mean aggregation:
    #   out = lin_l(mean_{j in N(i)} x_j) + lin_r(x_i)
    src = edge_index[0]
    dst = edge_index[1]
    msgs = jnp.take(x, src, axis=0)                      # gather source features [E, d]
    summed = jax.ops.segment_sum(msgs, dst, num_segments=x.shape[0])
    counts = jax.ops.segment_sum(jnp.ones((src.shape[0], 1), dtype=x.dtype), dst,
                                 num_segments=x.shape[0])
    agg = summed / jnp.maximum(counts, 1.0)              # mean aggregation
    return agg @ W_l + x @ W_r + b


def reference(x, edge_index, W1_l, W1_r, b1, W2_l, W2_r, b2):
    h = _sage_conv(x, edge_index, W1_l, W1_r, b1)
    h = jax.nn.relu(h)
    # F.dropout(p=0.5, training=self.training) -> identity in eval mode
    h = _sage_conv(h, edge_index, W2_l, W2_r, b2)
    return h

if __name__ == "__main__":
    import jax
    _d = setup_inputs()
    print(jax.jit(kernel)(*tuple(_d.values())))

</pallas_src>

<mosaic_0001>
#map = affine_map<(d0, d1) -> (0, 0)>
#map1 = affine_map<(d0, d1) -> (0, 0, 0)>
module attributes {stable_mosaic.version = 14 : i64} {
  func.func @body(%arg0: i32, %arg1: i32, %arg2: memref<10000x80xf32, #tpu.memory_space<hbm>>, %arg3: memref<2x320000xi32, #tpu.memory_space<hbm>>, %arg4: memref<2x10000x128xf32, #tpu.memory_space<hbm>>, %arg5: memref<10000xi32, #tpu.memory_space<vmem>>, %arg6: memref<125x80xi32, #tpu.memory_space<vmem>>, %arg7: memref<5x80x80xf32, #tpu.memory_space<vmem>>, %arg8: memref<8x80xf32, #tpu.memory_space<vmem_shared>>, %arg9: memref<10000x80xf32, #tpu.memory_space<vmem_shared>>, %arg10: memref<5x!tpu.dma_semaphore, #tpu.memory_space<semaphore_mem>>, %arg11: memref<5x!tpu.dma_semaphore, #tpu.memory_space<semaphore_mem>>, %arg12: memref<!tpu.dma_semaphore, #tpu.memory_space<semaphore_mem>>) attributes {dimension_semantics = [#tpu.dimension_semantics<core_parallel>, #tpu.dimension_semantics<subcore_parallel>], iteration_bounds = array<i64: 2, 16>, scalar_prefetch = 0 : i64, scratch_operands = 8 : i64, tpu.core_type = #tpu.core_type<sc_vector_subcore>, window_params = [{transform_indices = #map}, {transform_indices = #map}, {transform_indices = #map1}]} {
    %mul3A = arith.constant 2 : i32
    %mul3A_0 = arith.muli %arg1, %mul3A : i32
    %add3A = arith.addi %mul3A_0, %arg0 : i32
    %mul3A_1 = arith.constant 10000 : i32
    %mul3A_2 = arith.muli %add3A, %mul3A_1 : i32
    %run_scoped3A = arith.constant 0 : i32
    "tpu.region"() ({
      %run_scoped3A_118 = tpu.sem_alloc : memref<!tpu.dma_semaphore, #tpu.memory_space<semaphore_mem>>
      %dma_start3A_119 = tpu.memref_slice %arg3[%run_scoped3A, %mul3A_2] : memref<2x320000xi32, #tpu.memory_space<hbm>> -> memref<1x10000xi32, #tpu.memory_space<hbm>>
      %dma_start3A_120 = tpu.memref_squeeze %dma_start3A_119 : memref<1x10000xi32, #tpu.memory_space<hbm>> -> memref<10000xi32, #tpu.memory_space<hbm>>
      %dma_start3A_121 = tpu.memref_slice %arg3[%run_scoped3A, %mul3A_2] : memref<2x320000xi32, #tpu.memory_space<hbm>> -> memref<1x10000xi32, #tpu.memory_space<hbm>>
      %dma_start3A_122 = tpu.memref_squeeze %dma_start3A_121 : memref<1x10000xi32, #tpu.memory_space<hbm>> -> memref<10000xi32, #tpu.memory_space<hbm>>
      tpu.enqueue_dma source(%dma_start3A_122 : memref<10000xi32, #tpu.memory_space<hbm>>) target(%arg5 : memref<10000xi32, #tpu.memory_space<vmem>>) target_semaphore(%run_scoped3A_118 : memref<!tpu.dma_semaphore, #tpu.memory_space<semaphore_mem>>)
      %dma_wait3A_123 = tpu.memref_slice %arg3[%run_scoped3A, %mul3A_2] : memref<2x320000xi32, #tpu.memory_space<hbm>> -> memref<1x10000xi32, #tpu.memory_space<hbm>>
      %dma_wait3A_124 = tpu.memref_squeeze %dma_wait3A_123 : memref<1x10000xi32, #tpu.memory_space<hbm>> -> memref<10000xi32, #tpu.memory_space<hbm>>
      %dma_wait3A_125 = tpu.memref_slice %arg3[%run_scoped3A, %mul3A_2] : memref<2x320000xi32, #tpu.memory_space<hbm>> -> memref<1x10000xi32, #tpu.memory_space<hbm>>
      %dma_wait3A_126 = tpu.memref_squeeze %dma_wait3A_125 : memref<1x10000xi32, #tpu.memory_space<hbm>> -> memref<10000xi32, #tpu.memory_space<hbm>>
      tpu.wait_dma2 semaphore(%run_scoped3A_118 : memref<!tpu.dma_semaphore, #tpu.memory_space<semaphore_mem>>) src(%dma_wait3A_126 : memref<10000xi32, #tpu.memory_space<hbm>>) dst(%arg5 : memref<10000xi32, #tpu.memory_space<vmem>>)
      tpu.yield
    }) : () -> ()
    %scan3A = arith.constant 0 : i32
    %scan3A_3 = arith.constant 0 : i32
    %scan3A_4 = arith.constant 125 : i32
    %scan3A_5 = arith.addi %scan3A_3, %scan3A_4 : i32
    %scan3A_6 = arith.constant 1 : i32
    scf.for %scan3A_118 = %scan3A_3 to %scan3A_5 step %scan3A_6  : i32 {
      %mul3A_119 = arith.constant 80 : i32
      %mul3A_120 = arith.muli %scan3A_118, %mul3A_119 : i32
      %add3A_121 = arith.addi %mul3A_2, %mul3A_120 : i32
      %dma_start3A_122 = arith.constant 1 : i32
      %dma_start3A_123 = arith.constant 0 : i32
      %dma_start3A_124 = tpu.memref_slice %arg6[%scan3A_118, %dma_start3A_123] : memref<125x80xi32, #tpu.memory_space<vmem>> -> memref<1x80xi32, #tpu.memory_space<vmem>>
      %dma_start3A_125 = tpu.memref_squeeze %dma_start3A_124 : memref<1x80xi32, #tpu.memory_space<vmem>> -> memref<80xi32, #tpu.memory_space<vmem>>
      %dma_start3A_126 = tpu.memref_slice %arg3[%dma_start3A_122, %add3A_121] : memref<2x320000xi32, #tpu.memory_space<hbm>> -> memref<1x80xi32, #tpu.memory_space<hbm>>
      %dma_start3A_127 = tpu.memref_squeeze %dma_start3A_126 : memref<1x80xi32, #tpu.memory_space<hbm>> -> memref<80xi32, #tpu.memory_space<hbm>>
      %dma_start3A_128 = arith.constant 0 : i32
      %dma_start3A_129 = tpu.memref_slice %arg6[%scan3A_118, %dma_start3A_128] : memref<125x80xi32, #tpu.memory_space<vmem>> -> memref<1x80xi32, #tpu.memory_space<vmem>>
      %dma_start3A_130 = tpu.memref_squeeze %dma_start3A_129 : memref<1x80xi32, #tpu.memory_space<vmem>> -> memref<80xi32, #tpu.memory_space<vmem>>
      %dma_start3A_131 = tpu.memref_slice %arg3[%dma_start3A_122, %add3A_121] : memref<2x320000xi32, #tpu.memory_space<hbm>> -> memref<1x80xi32, #tpu.memory_space<hbm>>
      %dma_start3A_132 = tpu.memref_squeeze %dma_start3A_131 : memref<1x80xi32, #tpu.memory_space<hbm>> -> memref<80xi32, #tpu.memory_space<hbm>>
      tpu.enqueue_dma source(%dma_start3A_132 : memref<80xi32, #tpu.memory_space<hbm>>) target(%dma_start3A_130 : memref<80xi32, #tpu.memory_space<vmem>>) target_semaphore(%arg12 : memref<!tpu.dma_semaphore, #tpu.memory_space<semaphore_mem>>)
    }
    %scan3A_7 = arith.constant 125 : i32
    %mul3A_8 = arith.constant 625 : i32
    %mul3A_9 = arith.muli %arg1, %mul3A_8 : i32
    %scan3A_10 = arith.constant 0 : i32
    %scan3A_11 = arith.constant 0 : i32
    %scan3A_12 = arith.constant 400 : i32
    %scan3A_13 = arith.addi %scan3A_11, %scan3A_12 : i32
    %scan3A_14 = arith.constant 1 : i32
    scf.for %scan3A_118 = %scan3A_11 to %scan3A_13 step %scan3A_14  : i32 {
      %jit3A = arith.constant 5 : i32
      %div3A = arith.divsi %scan3A_118, %jit3A : i32
      %sign3A = arith.constant 0 : i32
      %sign3A_119 = arith.cmpi sgt, %scan3A_118, %sign3A : i32
      %sign3A_120 = arith.extui %sign3A_119 : i1 to i32
      %sign3A_121 = arith.constant 0 : i32
      %sign3A_122 = arith.cmpi slt, %scan3A_118, %sign3A_121 : i32
      %sign3A_123 = arith.extui %sign3A_122 : i1 to i32
      %sign3A_124 = arith.subi %sign3A_120, %sign3A_123 : i32
      %sign3A_125 = arith.constant 0 : i32
      %sign3A_126 = arith.cmpi sgt, %jit3A, %sign3A_125 : i32
      %sign3A_127 = arith.extui %sign3A_126 : i1 to i32
      %sign3A_128 = arith.constant 0 : i32
      %sign3A_129 = arith.cmpi slt, %jit3A, %sign3A_128 : i32
      %sign3A_130 = arith.extui %sign3A_129 : i1 to i32
      %sign3A_131 = arith.subi %sign3A_127, %sign3A_130 : i32
      %ne3A = arith.cmpi ne, %sign3A_124, %sign3A_131 : i32
      %rem3A = arith.remsi %scan3A_118, %jit3A : i32
      %ne3A_132 = arith.constant 0 : i32
      %ne3A_133 = arith.cmpi ne, %rem3A, %ne3A_132 : i32
      %and3A = arith.andi %ne3A, %ne3A_133 : i1
      %sub3A = arith.constant 1 : i32
      %sub3A_134 = arith.subi %div3A, %sub3A : i32
      %select_n3A = arith.select %and3A, %sub3A_134, %div3A : i32
      %rem3A_135 = arith.constant 5 : i32
      %rem3A_136 = arith.remsi %scan3A_118, %rem3A_135 : i32
      %mul3A_137 = arith.constant 16 : i32
      %mul3A_138 = arith.muli %rem3A_136, %mul3A_137 : i32
      %broadcast_in_dim3A = arith.constant 0.000000e+00 : f32
      %broadcast_in_dim3A_139 = vector.broadcast %broadcast_in_dim3A : f32 to vector<16xf32>
      %swap3A = arith.constant 0 : i32
      %swap3A_140 = arith.index_cast %swap3A : i32 to index
      %swap3A_141 = arith.index_cast %select_n3A : i32 to index
      %swap3A_142 = arith.index_cast %mul3A_138 : i32 to index
      %swap3A_143 = tpu.vector_load %arg7[%swap3A_140, %swap3A_141, %swap3A_142] {strides = array<i32>} : memref<5x80x80xf32, #tpu.memory_space<vmem>>, vector<1x1x16xf32>,
      %swap3A_144 = vector.shape_cast %swap3A_143 : vector<1x1x16xf32> to vector<16xf32>
      %swap3A_145 = vector.shape_cast %broadcast_in_dim3A_139 : vector<16xf32> to vector<1x1x16xf32>
      tpu.vector_store %arg7[%swap3A_140, %swap3A_141, %swap3A_142], %swap3A_145 {strides = array<i32>} : memref<5x80x80xf32, #tpu.memory_space<vmem>>, vector<1x1x16xf32>,
    }
    %scan3A_15 = arith.constant 400 : i32
    %add3A_16 = arith.constant 0 : i32
    %add3A_17 = arith.addi %mul3A_9, %add3A_16 : i32
    %run_scoped3A_18 = arith.constant 0 : i32
    "tpu.region"() ({
      %run_scoped3A_118 = tpu.sem_alloc : memref<!tpu.dma_semaphore, #tpu.memory_space<semaphore_mem>>
      %dma_start3A_119 = arith.constant 0 : i32
      %dma_start3A_120 = arith.constant 0 : i32
      %dma_start3A_121 = tpu.memref_slice %arg7[%run_scoped3A_18, %dma_start3A_119, %dma_start3A_120] : memref<5x80x80xf32, #tpu.memory_space<vmem>> -> memref<1x80x80xf32, #tpu.memory_space<vmem>>
      %dma_start3A_122 = tpu.memref_squeeze %dma_start3A_121 : memref<1x80x80xf32, #tpu.memory_space<vmem>> -> memref<80x80xf32, #tpu.memory_space<vmem>>
      %dma_start3A_123 = arith.constant 0 : i32
      %dma_start3A_124 = tpu.memref_slice %arg9[%add3A_17, %dma_start3A_123] : memref<10000x80xf32, #tpu.memory_space<vmem_shared>> -> memref<80x80xf32, #tpu.memory_space<vmem_shared>>
      %dma_start3A_125 = arith.constant 0 : i32
      %dma_start3A_126 = tpu.memref_slice %arg9[%add3A_17, %dma_start3A_125] : memref<10000x80xf32, #tpu.memory_space<vmem_shared>> -> memref<80x80xf32, #tpu.memory_space<vmem_shared>>
      %dma_start3A_127 = arith.constant 0 : i32
      %dma_start3A_128 = arith.constant 0 : i32
      %dma_start3A_129 = tpu.memref_slice %arg7[%run_scoped3A_18, %dma_start3A_127, %dma_start3A_128] : memref<5x80x80xf32, #tpu.memory_space<vmem>> -> memref<1x80x80xf32, #tpu.memory_space<vmem>>
      %dma_start3A_130 = tpu.memref_squeeze %dma_start3A_129 : memref<1x80x80xf32, #tpu.memory_space<vmem>> -> memref<80x80xf32, #tpu.memory_space<vmem>>
      tpu.enqueue_dma source(%dma_start3A_130 : memref<80x80xf32, #tpu.memory_space<vmem>>) target(%dma_start3A_126 : memref<80x80xf32, #tpu.memory_space<vmem_shared>>) target_semaphore(%run_scoped3A_118 : memref<!tpu.dma_semaphore, #tpu.memory_space<semaphore_mem>>)
      %dma_wait3A_131 = arith.constant 0 : i32
      %dma_wait3A_132 = arith.constant 0 : i32
      %dma_wait3A_133 = tpu.memref_slice %arg7[%run_scoped3A_18, %dma_wait3A_131, %dma_wait3A_132] : memref<5x80x80xf32, #tpu.memory_space<vmem>> -> memref<1x80x80xf32, #tpu.memory_space<vmem>>
      %dma_wait3A_134 = tpu.memref_squeeze %dma_wait3A_133 : memref<1x80x80xf32, #tpu.memory_space<vmem>> -> memref<80x80xf32, #tpu.memory_space<vmem>>
      %dma_wait3A_135 = arith.constant 0 : i32
      %dma_wait3A_136 = tpu.memref_slice %arg9[%add3A_17, %dma_wait3A_135] : memref<10000x80xf32, #tpu.memory_space<vmem_shared>> -> memref<80x80xf32, #tpu.memory_space<vmem_shared>>
      %dma_wait3A_137 = arith.constant 0 : i32
      %dma_wait3A_138 = tpu.memref_slice %arg9[%add3A_17, %dma_wait3A_137] : memref<10000x80xf32, #tpu.memory_space<vmem_shared>> -> memref<80x80xf32, #tpu.memory_space<vmem_shared>>
      %dma_wait3A_139 = arith.constant 0 : i32
      %dma_wait3A_140 = arith.constant 0 : i32
      %dma_wait3A_141 = tpu.memref_slice %arg7[%run_scoped3A_18, %dma_wait3A_139, %dma_wait3A_140] : memref<5x80x80xf32, #tpu.memory_space<vmem>> -> memref<1x80x80xf32, #tpu.memory_space<vmem>>
      %dma_wait3A_142 = tpu.memref_squeeze %dma_wait3A_141 : memref<1x80x80xf32, #tpu.memory_space<vmem>> -> memref<80x80xf32, #tpu.memory_space<vmem>>
      tpu.wait_dma2 semaphore(%run_scoped3A_118 : memref<!tpu.dma_semaphore, #tpu.memory_space<semaphore_mem>>) src(%dma_wait3A_142 : memref<80x80xf32, #tpu.memory_space<vmem>>) dst(%dma_wait3A_138 : memref<80x80xf32, #tpu.memory_space<vmem_shared>>)
      tpu.yield
    }) : () -> ()
    %add3A_19 = arith.constant 80 : i32
    %add3A_20 = arith.addi %mul3A_9, %add3A_19 : i32
    %run_scoped3A_21 = arith.constant 0 : i32
    "tpu.region"() ({
      %run_scoped3A_118 = tpu.sem_alloc : memref<!tpu.dma_semaphore, #tpu.memory_space<semaphore_mem>>
      %dma_start3A_119 = arith.constant 0 : i32
      %dma_start3A_120 = arith.constant 0 : i32
      %dma_start3A_121 = tpu.memref_slice %arg7[%run_scoped3A_21, %dma_start3A_119, %dma_start3A_120] : memref<5x80x80xf32, #tpu.memory_space<vmem>> -> memref<1x80x80xf32, #tpu.memory_space<vmem>>
      %dma_start3A_122 = tpu.memref_squeeze %dma_start3A_121 : memref<1x80x80xf32, #tpu.memory_space<vmem>> -> memref<80x80xf32, #tpu.memory_space<vmem>>
      %dma_start3A_123 = arith.constant 0 : i32
      %dma_start3A_124 = tpu.memref_slice %arg9[%add3A_20, %dma_start3A_123] : memref<10000x80xf32, #tpu.memory_space<vmem_shared>> -> memref<80x80xf32, #tpu.memory_space<vmem_shared>>
      %dma_start3A_125 = arith.constant 0 : i32
      %dma_start3A_126 = tpu.memref_slice %arg9[%add3A_20, %dma_start3A_125] : memref<10000x80xf32, #tpu.memory_space<vmem_shared>> -> memref<80x80xf32, #tpu.memory_space<vmem_shared>>
      %dma_start3A_127 = arith.constant 0 : i32
      %dma_start3A_128 = arith.constant 0 : i32
      %dma_start3A_129 = tpu.memref_slice %arg7[%run_scoped3A_21, %dma_start3A_127, %dma_start3A_128] : memref<5x80x80xf32, #tpu.memory_space<vmem>> -> memref<1x80x80xf32, #tpu.memory_space<vmem>>
      %dma_start3A_130 = tpu.memref_squeeze %dma_start3A_129 : memref<1x80x80xf32, #tpu.memory_space<vmem>> -> memref<80x80xf32, #tpu.memory_space<vmem>>
      tpu.enqueue_dma source(%dma_start3A_130 : memref<80x80xf32, #tpu.memory_space<vmem>>) target(%dma_start3A_126 : memref<80x80xf32, #tpu.memory_space<vmem_shared>>) target_semaphore(%run_scoped3A_118 : memref<!tpu.dma_semaphore, #tpu.memory_space<semaphore_mem>>)
      %dma_wait3A_131 = arith.constant 0 : i32
      %dma_wait3A_132 = arith.constant 0 : i32
      %dma_wait3A_133 = tpu.memref_slice %arg7[%run_scoped3A_21, %dma_wait3A_131, %dma_wait3A_132] : memref<5x80x80xf32, #tpu.memory_space<vmem>> -> memref<1x80x80xf32, #tpu.memory_space<vmem>>
      %dma_wait3A_134 = tpu.memref_squeeze %dma_wait3A_133 : memref<1x80x80xf32, #tpu.memory_space<vmem>> -> memref<80x80xf32, #tpu.memory_space<vmem>>
      %dma_wait3A_135 = arith.constant 0 : i32
      %dma_wait3A_136 = tpu.memref_slice %arg9[%add3A_20, %dma_wait3A_135] : memref<10000x80xf32, #tpu.memory_space<vmem_shared>> -> memref<80x80xf32, #tpu.memory_space<vmem_shared>>
      %dma_wait3A_137 = arith.constant 0 : i32
      %dma_wait3A_138 = tpu.memref_slice %arg9[%add3A_20, %dma_wait3A_137] : memref<10000x80xf32, #tpu.memory_space<vmem_shared>> -> memref<80x80xf32, #tpu.memory_space<vmem_shared>>
      %dma_wait3A_139 = arith.constant 0 : i32
      %dma_wait3A_140 = arith.constant 0 : i32
      %dma_wait3A_141 = tpu.memref_slice %arg7[%run_scoped3A_21, %dma_wait3A_139, %dma_wait3A_140] : memref<5x80x80xf32, #tpu.memory_space<vmem>> -> memref<1x80x80xf32, #tpu.memory_space<vmem>>
      %dma_wait3A_142 = tpu.memref_squeeze %dma_wait3A_141 : memref<1x80x80xf32, #tpu.memory_space<vmem>> -> memref<80x80xf32, #tpu.memory_space<vmem>>
      tpu.wait_dma2 semaphore(%run_scoped3A_118 : memref<!tpu.dma_semaphore, #tpu.memory_space<semaphore_mem>>) src(%dma_wait3A_142 : memref<80x80xf32, #tpu.memory_space<vmem>>) dst(%dma_wait3A_138 : memref<80x80xf32, #tpu.memory_space<vmem_shared>>)
      tpu.yield
    }) : () -> ()
    %add3A_22 = arith.constant 160 : i32
    %add3A_23 = arith.addi %mul3A_9, %add3A_22 : i32
    %run_scoped3A_24 = arith.constant 0 : i32
    "tpu.region"() ({
      %run_scoped3A_118 = tpu.sem_alloc : memref<!tpu.dma_semaphore, #tpu.memory_space<semaphore_mem>>
      %dma_start3A_119 = arith.constant 0 : i32
      %dma_start3A_120 = arith.constant 0 : i32
      %dma_start3A_121 = tpu.memref_slice %arg7[%run_scoped3A_24, %dma_start3A_119, %dma_start3A_120] : memref<5x80x80xf32, #tpu.memory_space<vmem>> -> memref<1x80x80xf32, #tpu.memory_space<vmem>>
      %dma_start3A_122 = tpu.memref_squeeze %dma_start3A_121 : memref<1x80x80xf32, #tpu.memory_space<vmem>> -> memref<80x80xf32, #tpu.memory_space<vmem>>
      %dma_start3A_123 = arith.constant 0 : i32
      %dma_start3A_124 = tpu.memref_slice %arg9[%add3A_23, %dma_start3A_123] : memref<10000x80xf32, #tpu.memory_space<vmem_shared>> -> memref<80x80xf32, #tpu.memory_space<vmem_shared>>
      %dma_start3A_125 = arith.constant 0 : i32
      %dma_start3A_126 = tpu.memref_slice %arg9[%add3A_23, %dma_start3A_125] : memref<10000x80xf32, #tpu.memory_space<vmem_shared>> -> memref<80x80xf32, #tpu.memory_space<vmem_shared>>
      %dma_start3A_127 = arith.constant 0 : i32
      %dma_start3A_128 = arith.constant 0 : i32
      %dma_start3A_129 = tpu.memref_slice %arg7[%run_scoped3A_24, %dma_start3A_127, %dma_start3A_128] : memref<5x80x80xf32, #tpu.memory_space<vmem>> -> memref<1x80x80xf32, #tpu.memory_space<vmem>>
      %dma_start3A_130 = tpu.memref_squeeze %dma_start3A_129 : memref<1x80x80xf32, #tpu.memory_space<vmem>> -> memref<80x80xf32, #tpu.memory_space<vmem>>
      tpu.enqueue_dma source(%dma_start3A_130 : memref<80x80xf32, #tpu.memory_space<vmem>>) target(%dma_start3A_126 : memref<80x80xf32, #tpu.memory_space<vmem_shared>>) target_semaphore(%run_scoped3A_118 : memref<!tpu.dma_semaphore, #tpu.memory_space<semaphore_mem>>)
      %dma_wait3A_131 = arith.constant 0 : i32
      %dma_wait3A_132 = arith.constant 0 : i32
      %dma_wait3A_133 = tpu.memref_slice %arg7[%run_scoped3A_24, %dma_wait3A_131, %dma_wait3A_132] : memref<5x80x80xf32, #tpu.memory_space<vmem>> -> memref<1x80x80xf32, #tpu.memory_space<vmem>>
      %dma_wait3A_134 = tpu.memref_squeeze %dma_wait3A_133 : memref<1x80x80xf32, #tpu.memory_space<vmem>> -> memref<80x80xf32, #tpu.memory_space<vmem>>
      %dma_wait3A_135 = arith.constant 0 : i32
      %dma_wait3A_136 = tpu.memref_slice %arg9[%add3A_23, %dma_wait3A_135] : memref<10000x80xf32, #tpu.memory_space<vmem_shared>> -> memref<80x80xf32, #tpu.memory_space<vmem_shared>>
      %dma_wait3A_137 = arith.constant 0 : i32
      %dma_wait3A_138 = tpu.memref_slice %arg9[%add3A_23, %dma_wait3A_137] : memref<10000x80xf32, #tpu.memory_space<vmem_shared>> -> memref<80x80xf32, #tpu.memory_space<vmem_shared>>
      %dma_wait3A_139 = arith.constant 0 : i32
      %dma_wait3A_140 = arith.constant 0 : i32
      %dma_wait3A_141 = tpu.memref_slice %arg7[%run_scoped3A_24, %dma_wait3A_139, %dma_wait3A_140] : memref<5x80x80xf32, #tpu.memory_space<vmem>> -> memref<1x80x80xf32, #tpu.memory_space<vmem>>
      %dma_wait3A_142 = tpu.memref_squeeze %dma_wait3A_141 : memref<1x80x80xf32, #tpu.memory_space<vmem>> -> memref<80x80xf32, #tpu.memory_space<vmem>>
      tpu.wait_dma2 semaphore(%run_scoped3A_118 : memref<!tpu.dma_semaphore, #tpu.memory_space<semaphore_mem>>) src(%dma_wait3A_142 : memref<80x80xf32, #tpu.memory_space<vmem>>) dst(%dma_wait3A_138 : memref<80x80xf32, #tpu.memory_space<vmem_shared>>)
      tpu.yield
    }) : () -> ()
    %add3A_25 = arith.constant 240 : i32
    %add3A_26 = arith.addi %mul3A_9, %add3A_25 : i32
    %run_scoped3A_27 = arith.constant 0 : i32
    "tpu.region"() ({
      %run_scoped3A_118 = tpu.sem_alloc : memref<!tpu.dma_semaphore, #tpu.memory_space<semaphore_mem>>
      %dma_start3A_119 = arith.constant 0 : i32
      %dma_start3A_120 = arith.constant 0 : i32
      %dma_start3A_121 = tpu.memref_slice %arg7[%run_scoped3A_27, %dma_start3A_119, %dma_start3A_120] : memref<5x80x80xf32, #tpu.memory_space<vmem>> -> memref<1x80x80xf32, #tpu.memory_space<vmem>>
      %dma_start3A_122 = tpu.memref_squeeze %dma_start3A_121 : memref<1x80x80xf32, #tpu.memory_space<vmem>> -> memref<80x80xf32, #tpu.memory_space<vmem>>
      %dma_start3A_123 = arith.constant 0 : i32
      %dma_start3A_124 = tpu.memref_slice %arg9[%add3A_26, %dma_start3A_123] : memref<10000x80xf32, #tpu.memory_space<vmem_shared>> -> memref<80x80xf32, #tpu.memory_space<vmem_shared>>
      %dma_start3A_125 = arith.constant 0 : i32
      %dma_start3A_126 = tpu.memref_slice %arg9[%add3A_26, %dma_start3A_125] : memref<10000x80xf32, #tpu.memory_space<vmem_shared>> -> memref<80x80xf32, #tpu.memory_space<vmem_shared>>
      %dma_start3A_127 = arith.constant 0 : i32
      %dma_start3A_128 = arith.constant 0 : i32
      %dma_start3A_129 = tpu.memref_slice %arg7[%run_scoped3A_27, %dma_start3A_127, %dma_start3A_128] : memref<5x80x80xf32, #tpu.memory_space<vmem>> -> memref<1x80x80xf32, #tpu.memory_space<vmem>>
      %dma_start3A_130 = tpu.memref_squeeze %dma_start3A_129 : memref<1x80x80xf32, #tpu.memory_space<vmem>> -> memref<80x80xf32, #tpu.memory_space<vmem>>
      tpu.enqueue_dma source(%dma_start3A_130 : memref<80x80xf32, #tpu.memory_space<vmem>>) target(%dma_start3A_126 : memref<80x80xf32, #tpu.memory_space<vmem_shared>>) target_semaphore(%run_scoped3A_118 : memref<!tpu.dma_semaphore, #tpu.memory_space<semaphore_mem>>)
      %dma_wait3A_131 = arith.constant 0 : i32
      %dma_wait3A_132 = arith.constant 0 : i32
      %dma_wait3A_133 = tpu.memref_slice %arg7[%run_scoped3A_27, %dma_wait3A_131, %dma_wait3A_132] : memref<5x80x80xf32, #tpu.memory_space<vmem>> -> memref<1x80x80xf32, #tpu.memory_space<vmem>>
      %dma_wait3A_134 = tpu.memref_squeeze %dma_wait3A_133 : memref<1x80x80xf32, #tpu.memory_space<vmem>> -> memref<80x80xf32, #tpu.memory_space<vmem>>
      %dma_wait3A_135 = arith.constant 0 : i32
      %dma_wait3A_136 = tpu.memref_slice %arg9[%add3A_26, %dma_wait3A_135] : memref<10000x80xf32, #tpu.memory_space<vmem_shared>> -> memref<80x80xf32, #tpu.memory_space<vmem_shared>>
      %dma_wait3A_137 = arith.constant 0 : i32
      %dma_wait3A_138 = tpu.memref_slice %arg9[%add3A_26, %dma_wait3A_137] : memref<10000x80xf32, #tpu.memory_space<vmem_shared>> -> memref<80x80xf32, #tpu.memory_space<vmem_shared>>
      %dma_wait3A_139 = arith.constant 0 : i32
      %dma_wait3A_140 = arith.constant 0 : i32
      %dma_wait3A_141 = tpu.memref_slice %arg7[%run_scoped3A_27, %dma_wait3A_139, %dma_wait3A_140] : memref<5x80x80xf32, #tpu.memory_space<vmem>> -> memref<1x80x80xf32, #tpu.memory_space<vmem>>
      %dma_wait3A_142 = tpu.memref_squeeze %dma_wait3A_141 : memref<1x80x80xf32, #tpu.memory_space<vmem>> -> memref<80x80xf32, #tpu.memory_space<vmem>>
      tpu.wait_dma2 semaphore(%run_scoped3A_118 : memref<!tpu.dma_semaphore, #tpu.memory_space<semaphore_mem>>) src(%dma_wait3A_142 : memref<80x80xf32, #tpu.memory_space<vmem>>) dst(%dma_wait3A_138 : memref<80x80xf32, #tpu.memory_space<vmem_shared>>)
      tpu.yield
    }) : () -> ()
    %add3A_28 = arith.constant 320 : i32
    %add3A_29 = arith.addi %mul3A_9, %add3A_28 : i32
    %run_scoped3A_30 = arith.constant 0 : i32
    "tpu.region"() ({
      %run_scoped3A_118 = tpu.sem_alloc : memref<!tpu.dma_semaphore, #tpu.memory_space<semaphore_mem>>
      %dma_start3A_119 = arith.constant 0 : i32
      %dma_start3A_120 = arith.constant 0 : i32
      %dma_start3A_121 = tpu.memref_slice %arg7[%run_scoped3A_30, %dma_start3A_119, %dma_start3A_120] : memref<5x80x80xf32, #tpu.memory_space<vmem>> -> memref<1x80x80xf32, #tpu.memory_space<vmem>>
      %dma_start3A_122 = tpu.memref_squeeze %dma_start3A_121 : memref<1x80x80xf32, #tpu.memory_space<vmem>> -> memref<80x80xf32, #tpu.memory_space<vmem>>
      %dma_start3A_123 = arith.constant 0 : i32
      %dma_start3A_124 = tpu.memref_slice %arg9[%add3A_29, %dma_start3A_123] : memref<10000x80xf32, #tpu.memory_space<vmem_shared>> -> memref<80x80xf32, #tpu.memory_space<vmem_shared>>
      %dma_start3A_125 = arith.constant 0 : i32
      %dma_start3A_126 = tpu.memref_slice %arg9[%add3A_29, %dma_start3A_125] : memref<10000x80xf32, #tpu.memory_space<vmem_shared>> -> memref<80x80xf32, #tpu.memory_space<vmem_shared>>
      %dma_start3A_127 = arith.constant 0 : i32
      %dma_start3A_128 = arith.constant 0 : i32
      %dma_start3A_129 = tpu.memref_slice %arg7[%run_scoped3A_30, %dma_start3A_127, %dma_start3A_128] : memref<5x80x80xf32, #tpu.memory_space<vmem>> -> memref<1x80x80xf32, #tpu.memory_space<vmem>>
      %dma_start3A_130 = tpu.memref_squeeze %dma_start3A_129 : memref<1x80x80xf32, #tpu.memory_space<vmem>> -> memref<80x80xf32, #tpu.memory_space<vmem>>
      tpu.enqueue_dma source(%dma_start3A_130 : memref<80x80xf32, #tpu.memory_space<vmem>>) target(%dma_start3A_126 : memref<80x80xf32, #tpu.memory_space<vmem_shared>>) target_semaphore(%run_scoped3A_118 : memref<!tpu.dma_semaphore, #tpu.memory_space<semaphore_mem>>)
      %dma_wait3A_131 = arith.constant 0 : i32
      %dma_wait3A_132 = arith.constant 0 : i32
      %dma_wait3A_133 = tpu.memref_slice %arg7[%run_scoped3A_30, %dma_wait3A_131, %dma_wait3A_132] : memref<5x80x80xf32, #tpu.memory_space<vmem>> -> memref<1x80x80xf32, #tpu.memory_space<vmem>>
      %dma_wait3A_134 = tpu.memref_squeeze %dma_wait3A_133 : memref<1x80x80xf32, #tpu.memory_space<vmem>> -> memref<80x80xf32, #tpu.memory_space<vmem>>
      %dma_wait3A_135 = arith.constant 0 : i32
      %dma_wait3A_136 = tpu.memref_slice %arg9[%add3A_29, %dma_wait3A_135] : memref<10000x80xf32, #tpu.memory_space<vmem_shared>> -> memref<80x80xf32, #tpu.memory_space<vmem_shared>>
      %dma_wait3A_137 = arith.constant 0 : i32
      %dma_wait3A_138 = tpu.memref_slice %arg9[%add3A_29, %dma_wait3A_137] : memref<10000x80xf32, #tpu.memory_space<vmem_shared>> -> memref<80x80xf32, #tpu.memory_space<vmem_shared>>
      %dma_wait3A_139 = arith.constant 0 : i32
      %dma_wait3A_140 = arith.constant 0 : i32
      %dma_wait3A_141 = tpu.memref_slice %arg7[%run_scoped3A_30, %dma_wait3A_139, %dma_wait3A_140] : memref<5x80x80xf32, #tpu.memory_space<vmem>> -> memref<1x80x80xf32, #tpu.memory_space<vmem>>
      %dma_wait3A_142 = tpu.memref_squeeze %dma_wait3A_141 : memref<1x80x80xf32, #tpu.memory_space<vmem>> -> memref<80x80xf32, #tpu.memory_space<vmem>>
      tpu.wait_dma2 semaphore(%run_scoped3A_118 : memref<!tpu.dma_semaphore, #tpu.memory_space<semaphore_mem>>) src(%dma_wait3A_142 : memref<80x80xf32, #tpu.memory_space<vmem>>) dst(%dma_wait3A_138 : memref<80x80xf32, #tpu.memory_space<vmem_shared>>)
      tpu.yield
    }) : () -> ()
    %add3A_31 = arith.constant 400 : i32
    %add3A_32 = arith.addi %mul3A_9, %add3A_31 : i32
    %run_scoped3A_33 = arith.constant 0 : i32
    "tpu.region"() ({
      %run_scoped3A_118 = tpu.sem_alloc : memref<!tpu.dma_semaphore, #tpu.memory_space<semaphore_mem>>
      %dma_start3A_119 = arith.constant 0 : i32
      %dma_start3A_120 = arith.constant 0 : i32
      %dma_start3A_121 = tpu.memref_slice %arg7[%run_scoped3A_33, %dma_start3A_119, %dma_start3A_120] : memref<5x80x80xf32, #tpu.memory_space<vmem>> -> memref<1x80x80xf32, #tpu.memory_space<vmem>>
      %dma_start3A_122 = tpu.memref_squeeze %dma_start3A_121 : memref<1x80x80xf32, #tpu.memory_space<vmem>> -> memref<80x80xf32, #tpu.memory_space<vmem>>
      %dma_start3A_123 = arith.constant 0 : i32
      %dma_start3A_124 = tpu.memref_slice %arg9[%add3A_32, %dma_start3A_123] : memref<10000x80xf32, #tpu.memory_space<vmem_shared>> -> memref<80x80xf32, #tpu.memory_space<vmem_shared>>
      %dma_start3A_125 = arith.constant 0 : i32
      %dma_start3A_126 = tpu.memref_slice %arg9[%add3A_32, %dma_start3A_125] : memref<10000x80xf32, #tpu.memory_space<vmem_shared>> -> memref<80x80xf32, #tpu.memory_space<vmem_shared>>
      %dma_start3A_127 = arith.constant 0 : i32
      %dma_start3A_128 = arith.constant 0 : i32
      %dma_start3A_129 = tpu.memref_slice %arg7[%run_scoped3A_33, %dma_start3A_127, %dma_start3A_128] : memref<5x80x80xf32, #tpu.memory_space<vmem>> -> memref<1x80x80xf32, #tpu.memory_space<vmem>>
      %dma_start3A_130 = tpu.memref_squeeze %dma_start3A_129 : memref<1x80x80xf32, #tpu.memory_space<vmem>> -> memref<80x80xf32, #tpu.memory_space<vmem>>
      tpu.enqueue_dma source(%dma_start3A_130 : memref<80x80xf32, #tpu.memory_space<vmem>>) target(%dma_start3A_126 : memref<80x80xf32, #tpu.memory_space<vmem_shared>>) target_semaphore(%run_scoped3A_118 : memref<!tpu.dma_semaphore, #tpu.memory_space<semaphore_mem>>)
      %dma_wait3A_131 = arith.constant 0 : i32
      %dma_wait3A_132 = arith.constant 0 : i32
      %dma_wait3A_133 = tpu.memref_slice %arg7[%run_scoped3A_33, %dma_wait3A_131, %dma_wait3A_132] : memref<5x80x80xf32, #tpu.memory_space<vmem>> -> memref<1x80x80xf32, #tpu.memory_space<vmem>>
      %dma_wait3A_134 = tpu.memref_squeeze %dma_wait3A_133 : memref<1x80x80xf32, #tpu.memory_space<vmem>> -> memref<80x80xf32, #tpu.memory_space<vmem>>
      %dma_wait3A_135 = arith.constant 0 : i32
      %dma_wait3A_136 = tpu.memref_slice %arg9[%add3A_32, %dma_wait3A_135] : memref<10000x80xf32, #tpu.memory_space<vmem_shared>> -> memref<80x80xf32, #tpu.memory_space<vmem_shared>>
      %dma_wait3A_137 = arith.constant 0 : i32
      %dma_wait3A_138 = tpu.memref_slice %arg9[%add3A_32, %dma_wait3A_137] : memref<10000x80xf32, #tpu.memory_space<vmem_shared>> -> memref<80x80xf32, #tpu.memory_space<vmem_shared>>
      %dma_wait3A_139 = arith.constant 0 : i32
      %dma_wait3A_140 = arith.constant 0 : i32
      %dma_wait3A_141 = tpu.memref_slice %arg7[%run_scoped3A_33, %dma_wait3A_139, %dma_wait3A_140] : memref<5x80x80xf32, #tpu.memory_space<vmem>> -> memref<1x80x80xf32, #tpu.memory_space<vmem>>
      %dma_wait3A_142 = tpu.memref_squeeze %dma_wait3A_141 : memref<1x80x80xf32, #tpu.memory_space<vmem>> -> memref<80x80xf32, #tpu.memory_space<vmem>>
      tpu.wait_dma2 semaphore(%run_scoped3A_118 : memref<!tpu.dma_semaphore, #tpu.memory_space<semaphore_mem>>) src(%dma_wait3A_142 : memref<80x80xf32, #tpu.memory_space<vmem>>) dst(%dma_wait3A_138 : memref<80x80xf32, #tpu.memory_space<vmem_shared>>)
      tpu.yield
    }) : () -> ()
    %add3A_34 = arith.constant 480 : i32
    %add3A_35 = arith.addi %mul3A_9, %add3A_34 : i32
    %run_scoped3A_36 = arith.constant 0 : i32
    "tpu.region"() ({
      %run_scoped3A_118 = tpu.sem_alloc : memref<!tpu.dma_semaphore, #tpu.memory_space<semaphore_mem>>
      %dma_start3A_119 = arith.constant 0 : i32
      %dma_start3A_120 = arith.constant 0 : i32
      %dma_start3A_121 = tpu.memref_slice %arg7[%run_scoped3A_36, %dma_start3A_119, %dma_start3A_120] : memref<5x80x80xf32, #tpu.memory_space<vmem>> -> memref<1x80x80xf32, #tpu.memory_space<vmem>>
      %dma_start3A_122 = tpu.memref_squeeze %dma_start3A_121 : memref<1x80x80xf32, #tpu.memory_space<vmem>> -> memref<80x80xf32, #tpu.memory_space<vmem>>
      %dma_start3A_123 = arith.constant 0 : i32
      %dma_start3A_124 = tpu.memref_slice %arg9[%add3A_35, %dma_start3A_123] : memref<10000x80xf32, #tpu.memory_space<vmem_shared>> -> memref<80x80xf32, #tpu.memory_space<vmem_shared>>
      %dma_start3A_125 = arith.constant 0 : i32
      %dma_start3A_126 = tpu.memref_slice %arg9[%add3A_35, %dma_start3A_125] : memref<10000x80xf32, #tpu.memory_space<vmem_shared>> -> memref<80x80xf32, #tpu.memory_space<vmem_shared>>
      %dma_start3A_127 = arith.constant 0 : i32
      %dma_start3A_128 = arith.constant 0 : i32
      %dma_start3A_129 = tpu.memref_slice %arg7[%run_scoped3A_36, %dma_start3A_127, %dma_start3A_128] : memref<5x80x80xf32, #tpu.memory_space<vmem>> -> memref<1x80x80xf32, #tpu.memory_space<vmem>>
      %dma_start3A_130 = tpu.memref_squeeze %dma_start3A_129 : memref<1x80x80xf32, #tpu.memory_space<vmem>> -> memref<80x80xf32, #tpu.memory_space<vmem>>
      tpu.enqueue_dma source(%dma_start3A_130 : memref<80x80xf32, #tpu.memory_space<vmem>>) target(%dma_start3A_126 : memref<80x80xf32, #tpu.memory_space<vmem_shared>>) target_semaphore(%run_scoped3A_118 : memref<!tpu.dma_semaphore, #tpu.memory_space<semaphore_mem>>)
      %dma_wait3A_131 = arith.constant 0 : i32
      %dma_wait3A_132 = arith.constant 0 : i32
      %dma_wait3A_133 = tpu.memref_slice %arg7[%run_scoped3A_36, %dma_wait3A_131, %dma_wait3A_132] : memref<5x80x80xf32, #tpu.memory_space<vmem>> -> memref<1x80x80xf32, #tpu.memory_space<vmem>>
      %dma_wait3A_134 = tpu.memref_squeeze %dma_wait3A_133 : memref<1x80x80xf32, #tpu.memory_space<vmem>> -> memref<80x80xf32, #tpu.memory_space<vmem>>
      %dma_wait3A_135 = arith.constant 0 : i32
      %dma_wait3A_136 = tpu.memref_slice %arg9[%add3A_35, %dma_wait3A_135] : memref<10000x80xf32, #tpu.memory_space<vmem_shared>> -> memref<80x80xf32, #tpu.memory_space<vmem_shared>>
      %dma_wait3A_137 = arith.constant 0 : i32
      %dma_wait3A_138 = tpu.memref_slice %arg9[%add3A_35, %dma_wait3A_137] : memref<10000x80xf32, #tpu.memory_space<vmem_shared>> -> memref<80x80xf32, #tpu.memory_space<vmem_shared>>
      %dma_wait3A_139 = arith.constant 0 : i32
      %dma_wait3A_140 = arith.constant 0 : i32
      %dma_wait3A_141 = tpu.memref_slice %arg7[%run_scoped3A_36, %dma_wait3A_139, %dma_wait3A_140] : memref<5x80x80xf32, #tpu.memory_space<vmem>> -> memref<1x80x80xf32, #tpu.memory_space<vmem>>
      %dma_wait3A_142 = tpu.memref_squeeze %dma_wait3A_141 : memref<1x80x80xf32, #tpu.memory_space<vmem>> -> memref<80x80xf32, #tpu.memory_space<vmem>>
      tpu.wait_dma2 semaphore(%run_scoped3A_118 : memref<!tpu.dma_semaphore, #tpu.memory_space<semaphore_mem>>) src(%dma_wait3A_142 : memref<80x80xf32, #tpu.memory_space<vmem>>) dst(%dma_wait3A_138 : memref<80x80xf32, #tpu.memory_space<vmem_shared>>)
      tpu.yield
    }) : () -> ()
    %add3A_37 = arith.constant 560 : i32
    %add3A_38 = arith.addi %mul3A_9, %add3A_37 : i32
    %run_scoped3A_39 = arith.constant 0 : i32
    "tpu.region"() ({
      %run_scoped3A_118 = tpu.sem_alloc : memref<!tpu.dma_semaphore, #tpu.memory_space<semaphore_mem>>
      %dma_start3A_119 = arith.constant 0 : i32
      %dma_start3A_120 = arith.constant 0 : i32
      %dma_start3A_121 = tpu.memref_slice %arg7[%run_scoped3A_39, %dma_start3A_119, %dma_start3A_120] : memref<5x80x80xf32, #tpu.memory_space<vmem>> -> memref<1x65x80xf32, #tpu.memory_space<vmem>>
      %dma_start3A_122 = tpu.memref_squeeze %dma_start3A_121 : memref<1x65x80xf32, #tpu.memory_space<vmem>> -> memref<65x80xf32, #tpu.memory_space<vmem>>
      %dma_start3A_123 = arith.constant 0 : i32
      %dma_start3A_124 = tpu.memref_slice %arg9[%add3A_38, %dma_start3A_123] : memref<10000x80xf32, #tpu.memory_space<vmem_shared>> -> memref<65x80xf32, #tpu.memory_space<vmem_shared>>
      %dma_start3A_125 = arith.constant 0 : i32
      %dma_start3A_126 = tpu.memref_slice %arg9[%add3A_38, %dma_start3A_125] : memref<10000x80xf32, #tpu.memory_space<vmem_shared>> -> memref<65x80xf32, #tpu.memory_space<vmem_shared>>
      %dma_start3A_127 = arith.constant 0 : i32
      %dma_start3A_128 = arith.constant 0 : i32
      %dma_start3A_129 = tpu.memref_slice %arg7[%run_scoped3A_39, %dma_start3A_127, %dma_start3A_128] : memref<5x80x80xf32, #tpu.memory_space<vmem>> -> memref<1x65x80xf32, #tpu.memory_space<vmem>>
      %dma_start3A_130 = tpu.memref_squeeze %dma_start3A_129 : memref<1x65x80xf32, #tpu.memory_space<vmem>> -> memref<65x80xf32, #tpu.memory_space<vmem>>
      tpu.enqueue_dma source(%dma_start3A_130 : memref<65x80xf32, #tpu.memory_space<vmem>>) target(%dma_start3A_126 : memref<65x80xf32, #tpu.memory_space<vmem_shared>>) target_semaphore(%run_scoped3A_118 : memref<!tpu.dma_semaphore, #tpu.memory_space<semaphore_mem>>)
      %dma_wait3A_131 = arith.constant 0 : i32
      %dma_wait3A_132 = arith.constant 0 : i32
      %dma_wait3A_133 = tpu.memref_slice %arg7[%run_scoped3A_39, %dma_wait3A_131, %dma_wait3A_132] : memref<5x80x80xf32, #tpu.memory_space<vmem>> -> memref<1x65x80xf32, #tpu.memory_space<vmem>>
      %dma_wait3A_134 = tpu.memref_squeeze %dma_wait3A_133 : memref<1x65x80xf32, #tpu.memory_space<vmem>> -> memref<65x80xf32, #tpu.memory_space<vmem>>
      %dma_wait3A_135 = arith.constant 0 : i32
      %dma_wait3A_136 = tpu.memref_slice %arg9[%add3A_38, %dma_wait3A_135] : memref<10000x80xf32, #tpu.memory_space<vmem_shared>> -> memref<65x80xf32, #tpu.memory_space<vmem_shared>>
      %dma_wait3A_137 = arith.constant 0 : i32
      %dma_wait3A_138 = tpu.memref_slice %arg9[%add3A_38, %dma_wait3A_137] : memref<10000x80xf32, #tpu.memory_space<vmem_shared>> -> memref<65x80xf32, #tpu.memory_space<vmem_shared>>
      %dma_wait3A_139 = arith.constant 0 : i32
      %dma_wait3A_140 = arith.constant 0 : i32
      %dma_wait3A_141 = tpu.memref_slice %arg7[%run_scoped3A_39, %dma_wait3A_139, %dma_wait3A_140] : memref<5x80x80xf32, #tpu.memory_space<vmem>> -> memref<1x65x80xf32, #tpu.memory_space<vmem>>
      %dma_wait3A_142 = tpu.memref_squeeze %dma_wait3A_141 : memref<1x65x80xf32, #tpu.memory_space<vmem>> -> memref<65x80xf32, #tpu.memory_space<vmem>>
      tpu.wait_dma2 semaphore(%run_scoped3A_118 : memref<!tpu.dma_semaphore, #tpu.memory_space<semaphore_mem>>) src(%dma_wait3A_142 : memref<65x80xf32, #tpu.memory_space<vmem>>) dst(%dma_wait3A_138 : memref<65x80xf32, #tpu.memory_space<vmem_shared>>)
      tpu.yield
    }) : () -> ()
    %scan3A_40 = arith.constant 0 : i32
    %scan3A_41 = arith.constant 0 : i32
    %scan3A_42 = arith.constant 125 : i32
    %scan3A_43 = arith.addi %scan3A_41, %scan3A_42 : i32
    %scan3A_44 = arith.constant 1 : i32
    scf.for %scan3A_118 = %scan3A_41 to %scan3A_43 step %scan3A_44  : i32 {
      %mul3A_119 = arith.constant 80 : i32
      %mul3A_120 = arith.muli %scan3A_118, %mul3A_119 : i32
      %add3A_121 = arith.addi %mul3A_2, %mul3A_120 : i32
      %dma_wait3A_122 = arith.constant 1 : i32
      %dma_wait3A_123 = arith.constant 0 : i32
      %dma_wait3A_124 = tpu.memref_slice %arg6[%scan3A_118, %dma_wait3A_123] : memref<125x80xi32, #tpu.memory_space<vmem>> -> memref<1x80xi32, #tpu.memory_space<vmem>>
      %dma_wait3A_125 = tpu.memref_squeeze %dma_wait3A_124 : memref<1x80xi32, #tpu.memory_space<vmem>> -> memref<80xi32, #tpu.memory_space<vmem>>
      %dma_wait3A_126 = tpu.memref_slice %arg3[%dma_wait3A_122, %add3A_121] : memref<2x320000xi32, #tpu.memory_space<hbm>> -> memref<1x80xi32, #tpu.memory_space<hbm>>
      %dma_wait3A_127 = tpu.memref_squeeze %dma_wait3A_126 : memref<1x80xi32, #tpu.memory_space<hbm>> -> memref<80xi32, #tpu.memory_space<hbm>>
      %dma_wait3A_128 = arith.constant 0 : i32
      %dma_wait3A_129 = tpu.memref_slice %arg6[%scan3A_118, %dma_wait3A_128] : memref<125x80xi32, #tpu.memory_space<vmem>> -> memref<1x80xi32, #tpu.memory_space<vmem>>
      %dma_wait3A_130 = tpu.memref_squeeze %dma_wait3A_129 : memref<1x80xi32, #tpu.memory_space<vmem>> -> memref<80xi32, #tpu.memory_space<vmem>>
      %dma_wait3A_131 = tpu.memref_slice %arg3[%dma_wait3A_122, %add3A_121] : memref<2x320000xi32, #tpu.memory_space<hbm>> -> memref<1x80xi32, #tpu.memory_space<hbm>>
      %dma_wait3A_132 = tpu.memref_squeeze %dma_wait3A_131 : memref<1x80xi32, #tpu.memory_space<hbm>> -> memref<80xi32, #tpu.memory_space<hbm>>
      tpu.wait_dma2 semaphore(%arg12 : memref<!tpu.dma_semaphore, #tpu.memory_space<semaphore_mem>>) src(%dma_wait3A_132 : memref<80xi32, #tpu.memory_space<hbm>>) dst(%dma_wait3A_130 : memref<80xi32, #tpu.memory_space<vmem>>)
    }
    %scan3A_45 = arith.constant 125 : i32
    %barrier3A = arith.constant 0 : index
    tpu.barrier barrier_id(%barrier3A)
    %dma_start3A = arith.constant 0 : i32
    %dma_start3A_46 = arith.constant 0 : i32
    %dma_start3A_47 = arith.constant 0 : i32
    %dma_start3A_48 = arith.constant 0 : i32
    %dma_start3A_49 = tpu.memref_slice %arg7[%dma_start3A, %dma_start3A_47, %dma_start3A_48] : memref<5x80x80xf32, #tpu.memory_space<vmem>> -> memref<1x80x80xf32, #tpu.memory_space<vmem>>
    %dma_start3A_50 = tpu.memref_squeeze %dma_start3A_49 : memref<1x80x80xf32, #tpu.memory_space<vmem>> -> memref<80x80xf32, #tpu.memory_space<vmem>>
    %dma_start3A_51 = arith.constant 0 : i32
    %dma_start3A_52 = tpu.memref_slice %arg5[%dma_start3A_51] : memref<10000xi32, #tpu.memory_space<vmem>> -> memref<80xi32, #tpu.memory_space<vmem>>
    %dma_start3A_53 = arith.constant 0 : i32
    %dma_start3A_54 = arith.constant 0 : i32
    %dma_start3A_55 = tpu.memref_slice %arg2[%dma_start3A_53, %dma_start3A_54] : memref<10000x80xf32, #tpu.memory_space<hbm>> -> memref<10000x80xf32, #tpu.memory_space<hbm>>
    %dma_start3A_56 = tpu.memref_slice %arg10[%dma_start3A_46] : memref<5x!tpu.dma_semaphore, #tpu.memory_space<semaphore_mem>> -> memref<1x!tpu.dma_semaphore, #tpu.memory_space<semaphore_mem>>
    %dma_start3A_57 = tpu.memref_squeeze %dma_start3A_56 : memref<1x!tpu.dma_semaphore, #tpu.memory_space<semaphore_mem>> -> memref<!tpu.dma_semaphore, #tpu.memory_space<semaphore_mem>>
    tpu.enqueue_indirect_dma source(%dma_start3A_55 : memref<10000x80xf32, #tpu.memory_space<hbm>>) target(%dma_start3A_50 : memref<80x80xf32, #tpu.memory_space<vmem>>) offsets(%dma_start3A_52 : memref<80xi32, #tpu.memory_space<vmem>>) semaphore(%dma_start3A_57 : memref<!tpu.dma_semaphore, #tpu.memory_space<semaphore_mem>>)
    %dma_start3A_58 = arith.constant 1 : i32
    %dma_start3A_59 = arith.constant 1 : i32
    %dma_start3A_60 = arith.constant 0 : i32
    %dma_start3A_61 = arith.constant 0 : i32
    %dma_start3A_62 = tpu.memref_slice %arg7[%dma_start3A_58, %dma_start3A_60, %dma_start3A_61] : memref<5x80x80xf32, #tpu.memory_space<vmem>> -> memref<1x80x80xf32, #tpu.memory_space<vmem>>
    %dma_start3A_63 = tpu.memref_squeeze %dma_start3A_62 : memref<1x80x80xf32, #tpu.memory_space<vmem>> -> memref<80x80xf32, #tpu.memory_space<vmem>>
    %dma_start3A_64 = arith.constant 80 : i32
    %dma_start3A_65 = tpu.memref_slice %arg5[%dma_start3A_64] : memref<10000xi32, #tpu.memory_space<vmem>> -> memref<80xi32, #tpu.memory_space<vmem>>
    %dma_start3A_66 = arith.constant 0 : i32
    %dma_start3A_67 = arith.constant 0 : i32
    %dma_start3A_68 = tpu.memref_slice %arg2[%dma_start3A_66, %dma_start3A_67] : memref<10000x80xf32, #tpu.memory_space<hbm>> -> memref<10000x80xf32, #tpu.memory_space<hbm>>
    %dma_start3A_69 = tpu.memref_slice %arg10[%dma_start3A_59] : memref<5x!tpu.dma_semaphore, #tpu.memory_space<semaphore_mem>> -> memref<1x!tpu.dma_semaphore, #tpu.memory_space<semaphore_mem>>
    %dma_start3A_70 = tpu.memref_squeeze %dma_start3A_69 : memref<1x!tpu.dma_semaphore, #tpu.memory_space<semaphore_mem>> -> memref<!tpu.dma_semaphore, #tpu.memory_space<semaphore_mem>>
    tpu.enqueue_indirect_dma source(%dma_start3A_68 : memref<10000x80xf32, #tpu.memory_space<hbm>>) target(%dma_start3A_63 : memref<80x80xf32, #tpu.memory_space<vmem>>) offsets(%dma_start3A_65 : memref<80xi32, #tpu.memory_space<vmem>>) semaphore(%dma_start3A_70 : memref<!tpu.dma_semaphore, #tpu.memory_space<semaphore_mem>>)
    %dma_start3A_71 = arith.constant 2 : i32
    %dma_start3A_72 = arith.constant 2 : i32
    %dma_start3A_73 = arith.constant 0 : i32
    %dma_start3A_74 = arith.constant 0 : i32
    %dma_start3A_75 = tpu.memref_slice %arg7[%dma_start3A_71, %dma_start3A_73, %dma_start3A_74] : memref<5x80x80xf32, #tpu.memory_space<vmem>> -> memref<1x80x80xf32, #tpu.memory_space<vmem>>
    %dma_start3A_76 = tpu.memref_squeeze %dma_start3A_75 : memref<1x80x80xf32, #tpu.memory_space<vmem>> -> memref<80x80xf32, #tpu.memory_space<vmem>>
    %dma_start3A_77 = arith.constant 160 : i32
    %dma_start3A_78 = tpu.memref_slice %arg5[%dma_start3A_77] : memref<10000xi32, #tpu.memory_space<vmem>> -> memref<80xi32, #tpu.memory_space<vmem>>
    %dma_start3A_79 = arith.constant 0 : i32
    %dma_start3A_80 = arith.constant 0 : i32
    %dma_start3A_81 = tpu.memref_slice %arg2[%dma_start3A_79, %dma_start3A_80] : memref<10000x80xf32, #tpu.memory_space<hbm>> -> memref<10000x80xf32, #tpu.memory_space<hbm>>
    %dma_start3A_82 = tpu.memref_slice %arg10[%dma_start3A_72] : memref<5x!tpu.dma_semaphore, #tpu.memory_space<semaphore_mem>> -> memref<1x!tpu.dma_semaphore, #tpu.memory_space<semaphore_mem>>
    %dma_start3A_83 = tpu.memref_squeeze %dma_start3A_82 : memref<1x!tpu.dma_semaphore, #tpu.memory_space<semaphore_mem>> -> memref<!tpu.dma_semaphore, #tpu.memory_space<semaphore_mem>>
    tpu.enqueue_indirect_dma source(%dma_start3A_81 : memref<10000x80xf32, #tpu.memory_space<hbm>>) target(%dma_start3A_76 : memref<80x80xf32, #tpu.memory_space<vmem>>) offsets(%dma_start3A_78 : memref<80xi32, #tpu.memory_space<vmem>>) semaphore(%dma_start3A_83 : memref<!tpu.dma_semaphore, #tpu.memory_space<semaphore_mem>>)
    %dma_start3A_84 = arith.constant 3 : i32
    %dma_start3A_85 = arith.constant 3 : i32
    %dma_start3A_86 = arith.constant 0 : i32
    %dma_start3A_87 = arith.constant 0 : i32
    %dma_start3A_88 = tpu.memref_slice %arg7[%dma_start3A_84, %dma_start3A_86, %dma_start3A_87] : memref<5x80x80xf32, #tpu.memory_space<vmem>> -> memref<1x80x80xf32, #tpu.memory_space<vmem>>
    %dma_start3A_89 = tpu.memref_squeeze %dma_start3A_88 : memref<1x80x80xf32, #tpu.memory_space<vmem>> -> memref<80x80xf32, #tpu.memory_space<vmem>>
    %dma_start3A_90 = arith.constant 240 : i32
    %dma_start3A_91 = tpu.memref_slice %arg5[%dma_start3A_90] : memref<10000xi32, #tpu.memory_space<vmem>> -> memref<80xi32, #tpu.memory_space<vmem>>
    %dma_start3A_92 = arith.constant 0 : i32
    %dma_start3A_93 = arith.constant 0 : i32
    %dma_start3A_94 = tpu.memref_slice %arg2[%dma_start3A_92, %dma_start3A_93] : memref<10000x80xf32, #tpu.memory_space<hbm>> -> memref<10000x80xf32, #tpu.memory_space<hbm>>
    %dma_start3A_95 = tpu.memref_slice %arg10[%dma_start3A_85] : memref<5x!tpu.dma_semaphore, #tpu.memory_space<semaphore_mem>> -> memref<1x!tpu.dma_semaphore, #tpu.memory_space<semaphore_mem>>
    %dma_start3A_96 = tpu.memref_squeeze %dma_start3A_95 : memref<1x!tpu.dma_semaphore, #tpu.memory_space<semaphore_mem>> -> memref<!tpu.dma_semaphore, #tpu.memory_space<semaphore_mem>>
    tpu.enqueue_indirect_dma source(%dma_start3A_94 : memref<10000x80xf32, #tpu.memory_space<hbm>>) target(%dma_start3A_89 : memref<80x80xf32, #tpu.memory_space<vmem>>) offsets(%dma_start3A_91 : memref<80xi32, #tpu.memory_space<vmem>>) semaphore(%dma_start3A_96 : memref<!tpu.dma_semaphore, #tpu.memory_space<semaphore_mem>>)
    %scan3A_97 = arith.constant 0 : i32
    %scan3A_98 = arith.constant 0 : i32
    %scan3A_99 = arith.constant 125 : i32
    %scan3A_100 = arith.addi %scan3A_98, %scan3A_99 : i32
    %scan3A_101 = arith.constant 1 : i32
    scf.for %scan3A_118 = %scan3A_98 to %scan3A_100 step %scan3A_101  : i32 {
      %rem3A = arith.constant 5 : i32
      %rem3A_119 = arith.remsi %scan3A_118, %rem3A : i32
      %add3A_120 = arith.constant 5 : i32
      %add3A_121 = arith.addi %scan3A_118, %add3A_120 : i32
      %sub3A = arith.constant 1 : i32
      %sub3A_122 = arith.subi %add3A_121, %sub3A : i32
      %rem3A_123 = arith.constant 5 : i32
      %rem3A_124 = arith.remsi %sub3A_122, %rem3A_123 : i32
      %ge3A = arith.constant 1 : i32
      %ge3A_125 = arith.cmpi sge, %scan3A_118, %ge3A : i32
      %convert_element_type3A = arith.extui %ge3A_125 : i1 to i32
      %cond3A = arith.constant 0 : i32
      %cond3A_126 = arith.cmpi ne, %convert_element_type3A, %cond3A : i32
      scf.if %cond3A_126 {
        %sub3A_159 = arith.constant 1 : i32
        %sub3A_160 = arith.subi %scan3A_118, %sub3A_159 : i32
        %dma_wait3A_161 = arith.constant 0 : i32
        %dma_wait3A_162 = arith.constant 0 : i32
        %dma_wait3A_163 = tpu.memref_slice %arg7[%rem3A_124, %dma_wait3A_161, %dma_wait3A_162] : memref<5x80x80xf32, #tpu.memory_space<vmem>> -> memref<1x80x80xf32, #tpu.memory_space<vmem>>
        %dma_wait3A_164 = tpu.memref_squeeze %dma_wait3A_163 : memref<1x80x80xf32, #tpu.memory_space<vmem>> -> memref<80x80xf32, #tpu.memory_space<vmem>>
        %dma_wait3A_165 = arith.constant 0 : i32
        %dma_wait3A_166 = tpu.memref_slice %arg6[%sub3A_160, %dma_wait3A_165] : memref<125x80xi32, #tpu.memory_space<vmem>> -> memref<1x80xi32, #tpu.memory_space<vmem>>
        %dma_wait3A_167 = tpu.memref_squeeze %dma_wait3A_166 : memref<1x80xi32, #tpu.memory_space<vmem>> -> memref<80xi32, #tpu.memory_space<vmem>>
        %dma_wait3A_168 = arith.constant 0 : i32
        %dma_wait3A_169 = arith.constant 0 : i32
        %dma_wait3A_170 = tpu.memref_slice %arg9[%dma_wait3A_168, %dma_wait3A_169] : memref<10000x80xf32, #tpu.memory_space<vmem_shared>> -> memref<10000x80xf32, #tpu.memory_space<vmem_shared>>
        %dma_wait3A_171 = tpu.memref_slice %arg11[%rem3A_124] : memref<5x!tpu.dma_semaphore, #tpu.memory_space<semaphore_mem>> -> memref<1x!tpu.dma_semaphore, #tpu.memory_space<semaphore_mem>>
        %dma_wait3A_172 = tpu.memref_squeeze %dma_wait3A_171 : memref<1x!tpu.dma_semaphore, #tpu.memory_space<semaphore_mem>> -> memref<!tpu.dma_semaphore, #tpu.memory_space<semaphore_mem>>
        tpu.wait_indirect_dma semaphore(%dma_wait3A_172 : memref<!tpu.dma_semaphore, #tpu.memory_space<semaphore_mem>>) src(%dma_wait3A_164 : memref<80x80xf32, #tpu.memory_space<vmem>>) dst(%dma_wait3A_170 : memref<10000x80xf32, #tpu.memory_space<vmem_shared>>)
      } else {
      }
      %add3A_127 = arith.constant 5 : i32
      %add3A_128 = arith.addi %scan3A_118, %add3A_127 : i32
      %sub3A_129 = arith.constant 1 : i32
      %sub3A_130 = arith.subi %add3A_128, %sub3A_129 : i32
      %lt3A = arith.constant 125 : i32
      %lt3A_131 = arith.cmpi slt, %sub3A_130, %lt3A : i32
      %convert_element_type3A_132 = arith.extui %lt3A_131 : i1 to i32
      %cond3A_133 = arith.constant 0 : i32
      %cond3A_134 = arith.cmpi ne, %convert_element_type3A_132, %cond3A_133 : i32
      scf.if %cond3A_134 {
        %add3A_159 = arith.constant 5 : i32
        %add3A_160 = arith.addi %scan3A_118, %add3A_159 : i32
        %sub3A_161 = arith.constant 1 : i32
        %sub3A_162 = arith.subi %add3A_160, %sub3A_161 : i32
        %mul3A_163 = arith.constant 80 : i32
        %mul3A_164 = arith.muli %sub3A_162, %mul3A_163 : i32
        %dma_start3A_165 = arith.constant 0 : i32
        %dma_start3A_166 = arith.constant 0 : i32
        %dma_start3A_167 = tpu.memref_slice %arg7[%rem3A_124, %dma_start3A_165, %dma_start3A_166] : memref<5x80x80xf32, #tpu.memory_space<vmem>> -> memref<1x80x80xf32, #tpu.memory_space<vmem>>
        %dma_start3A_168 = tpu.memref_squeeze %dma_start3A_167 : memref<1x80x80xf32, #tpu.memory_space<vmem>> -> memref<80x80xf32, #tpu.memory_space<vmem>>
        %dma_start3A_169 = tpu.memref_slice %arg5[%mul3A_164] : memref<10000xi32, #tpu.memory_space<vmem>> -> memref<80xi32, #tpu.memory_space<vmem>>
        %dma_start3A_170 = arith.constant 0 : i32
        %dma_start3A_171 = arith.constant 0 : i32
        %dma_start3A_172 = tpu.memref_slice %arg2[%dma_start3A_170, %dma_start3A_171] : memref<10000x80xf32, #tpu.memory_space<hbm>> -> memref<10000x80xf32, #tpu.memory_space<hbm>>
        %dma_start3A_173 = tpu.memref_slice %arg10[%rem3A_124] : memref<5x!tpu.dma_semaphore, #tpu.memory_space<semaphore_mem>> -> memref<1x!tpu.dma_semaphore, #tpu.memory_space<semaphore_mem>>
        %dma_start3A_174 = tpu.memref_squeeze %dma_start3A_173 : memref<1x!tpu.dma_semaphore, #tpu.memory_space<semaphore_mem>> -> memref<!tpu.dma_semaphore, #tpu.memory_space<semaphore_mem>>
        tpu.enqueue_indirect_dma source(%dma_start3A_172 : memref<10000x80xf32, #tpu.memory_space<hbm>>) target(%dma_start3A_168 : memref<80x80xf32, #tpu.memory_space<vmem>>) offsets(%dma_start3A_169 : memref<80xi32, #tpu.memory_space<vmem>>) semaphore(%dma_start3A_174 : memref<!tpu.dma_semaphore, #tpu.memory_space<semaphore_mem>>)
      } else {
      }
      %mul3A_135 = arith.constant 80 : i32
      %mul3A_136 = arith.muli %scan3A_118, %mul3A_135 : i32
      %dma_wait3A_137 = arith.constant 0 : i32
      %dma_wait3A_138 = arith.constant 0 : i32
      %dma_wait3A_139 = tpu.memref_slice %arg7[%rem3A_119, %dma_wait3A_137, %dma_wait3A_138] : memref<5x80x80xf32, #tpu.memory_space<vmem>> -> memref<1x80x80xf32, #tpu.memory_space<vmem>>
      %dma_wait3A_140 = tpu.memref_squeeze %dma_wait3A_139 : memref<1x80x80xf32, #tpu.memory_space<vmem>> -> memref<80x80xf32, #tpu.memory_space<vmem>>
      %dma_wait3A_141 = tpu.memref_slice %arg5[%mul3A_136] : memref<10000xi32, #tpu.memory_space<vmem>> -> memref<80xi32, #tpu.memory_space<vmem>>
      %dma_wait3A_142 = arith.constant 0 : i32
      %dma_wait3A_143 = arith.constant 0 : i32
      %dma_wait3A_144 = tpu.memref_slice %arg2[%dma_wait3A_142, %dma_wait3A_143] : memref<10000x80xf32, #tpu.memory_space<hbm>> -> memref<10000x80xf32, #tpu.memory_space<hbm>>
      %dma_wait3A_145 = tpu.memref_slice %arg10[%rem3A_119] : memref<5x!tpu.dma_semaphore, #tpu.memory_space<semaphore_mem>> -> memref<1x!tpu.dma_semaphore, #tpu.memory_space<semaphore_mem>>
      %dma_wait3A_146 = tpu.memref_squeeze %dma_wait3A_145 : memref<1x!tpu.dma_semaphore, #tpu.memory_space<semaphore_mem>> -> memref<!tpu.dma_semaphore, #tpu.memory_space<semaphore_mem>>
      tpu.wait_indirect_dma semaphore(%dma_wait3A_146 : memref<!tpu.dma_semaphore, #tpu.memory_space<semaphore_mem>>) src(%dma_wait3A_144 : memref<10000x80xf32, #tpu.memory_space<hbm>>) dst(%dma_wait3A_140 : memref<80x80xf32, #tpu.memory_space<vmem>>)
      %dma_start3A_147 = arith.constant 0 : i32
      %dma_start3A_148 = arith.constant 0 : i32
      %dma_start3A_149 = tpu.memref_slice %arg7[%rem3A_119, %dma_start3A_147, %dma_start3A_148] : memref<5x80x80xf32, #tpu.memory_space<vmem>> -> memref<1x80x80xf32, #tpu.memory_space<vmem>>
      %dma_start3A_150 = tpu.memref_squeeze %dma_start3A_149 : memref<1x80x80xf32, #tpu.memory_space<vmem>> -> memref<80x80xf32, #tpu.memory_space<vmem>>
      %dma_start3A_151 = arith.constant 0 : i32
      %dma_start3A_152 = tpu.memref_slice %arg6[%scan3A_118, %dma_start3A_151] : memref<125x80xi32, #tpu.memory_space<vmem>> -> memref<1x80xi32, #tpu.memory_space<vmem>>
      %dma_start3A_153 = tpu.memref_squeeze %dma_start3A_152 : memref<1x80xi32, #tpu.memory_space<vmem>> -> memref<80xi32, #tpu.memory_space<vmem>>
      %dma_start3A_154 = arith.constant 0 : i32
      %dma_start3A_155 = arith.constant 0 : i32
      %dma_start3A_156 = tpu.memref_slice %arg9[%dma_start3A_154, %dma_start3A_155] : memref<10000x80xf32, #tpu.memory_space<vmem_shared>> -> memref<10000x80xf32, #tpu.memory_space<vmem_shared>>
      %dma_start3A_157 = tpu.memref_slice %arg11[%rem3A_119] : memref<5x!tpu.dma_semaphore, #tpu.memory_space<semaphore_mem>> -> memref<1x!tpu.dma_semaphore, #tpu.memory_space<semaphore_mem>>
      %dma_start3A_158 = tpu.memref_squeeze %dma_start3A_157 : memref<1x!tpu.dma_semaphore, #tpu.memory_space<semaphore_mem>> -> memref<!tpu.dma_semaphore, #tpu.memory_space<semaphore_mem>>
      tpu.enqueue_indirect_dma source(%dma_start3A_150 : memref<80x80xf32, #tpu.memory_space<vmem>>) target(%dma_start3A_156 : memref<10000x80xf32, #tpu.memory_space<vmem_shared>>) offsets(%dma_start3A_153 : memref<80xi32, #tpu.memory_space<vmem>>) semaphore(%dma_start3A_158 : memref<!tpu.dma_semaphore, #tpu.memory_space<semaphore_mem>>) {add = true}
    }
    %scan3A_102 = arith.constant 125 : i32
    %dma_wait3A = arith.constant 4 : i32
    %dma_wait3A_103 = arith.constant 124 : i32
    %dma_wait3A_104 = arith.constant 4 : i32
    %dma_wait3A_105 = arith.constant 0 : i32
    %dma_wait3A_106 = arith.constant 0 : i32
    %dma_wait3A_107 = tpu.memref_slice %arg7[%dma_wait3A, %dma_wait3A_105, %dma_wait3A_106] : memref<5x80x80xf32, #tpu.memory_space<vmem>> -> memref<1x80x80xf32, #tpu.memory_space<vmem>>
    %dma_wait3A_108 = tpu.memref_squeeze %dma_wait3A_107 : memref<1x80x80xf32, #tpu.memory_space<vmem>> -> memref<80x80xf32, #tpu.memory_space<vmem>>
    %dma_wait3A_109 = arith.constant 0 : i32
    %dma_wait3A_110 = tpu.memref_slice %arg6[%dma_wait3A_103, %dma_wait3A_109] : memref<125x80xi32, #tpu.memory_space<vmem>> -> memref<1x80xi32, #tpu.memory_space<vmem>>
    %dma_wait3A_111 = tpu.memref_squeeze %dma_wait3A_110 : memref<1x80xi32, #tpu.memory_space<vmem>> -> memref<80xi32, #tpu.memory_space<vmem>>
    %dma_wait3A_112 = arith.constant 0 : i32
    %dma_wait3A_113 = arith.constant 0 : i32
    %dma_wait3A_114 = tpu.memref_slice %arg9[%dma_wait3A_112, %dma_wait3A_113] : memref<10000x80xf32, #tpu.memory_space<vmem_shared>> -> memref<10000x80xf32, #tpu.memory_space<vmem_shared>>
    %dma_wait3A_115 = tpu.memref_slice %arg11[%dma_wait3A_104] : memref<5x!tpu.dma_semaphore, #tpu.memory_space<semaphore_mem>> -> memref<1x!tpu.dma_semaphore, #tpu.memory_space<semaphore_mem>>
    %dma_wait3A_116 = tpu.memref_squeeze %dma_wait3A_115 : memref<1x!tpu.dma_semaphore, #tpu.memory_space<semaphore_mem>> -> memref<!tpu.dma_semaphore, #tpu.memory_space<semaphore_mem>>
    tpu.wait_indirect_dma semaphore(%dma_wait3A_116 : memref<!tpu.dma_semaphore, #tpu.memory_space<semaphore_mem>>) src(%dma_wait3A_108 : memref<80x80xf32, #tpu.memory_space<vmem>>) dst(%dma_wait3A_114 : memref<10000x80xf32, #tpu.memory_space<vmem_shared>>)
    %barrier3A_117 = arith.constant 0 : index
    tpu.barrier barrier_id(%barrier3A_117)
    "tpu.region"() ({
      %run_scoped3A_118 = tpu.sem_alloc : memref<!tpu.dma_semaphore, #tpu.memory_space<semaphore_mem>>
      %dma_start3A_119 = arith.constant 0 : i32
      %dma_start3A_120 = tpu.memref_slice %arg4[%arg0, %mul3A_9, %dma_start3A_119] : memref<2x10000x128xf32, #tpu.memory_space<hbm>> -> memref<1x625x80xf32, #tpu.memory_space<hbm>>
      %dma_start3A_121 = tpu.memref_squeeze %dma_start3A_120 : memref<1x625x80xf32, #tpu.memory_space<hbm>> -> memref<625x80xf32, #tpu.memory_space<hbm>>
      %dma_start3A_122 = arith.constant 0 : i32
      %dma_start3A_123 = tpu.memref_slice %arg9[%mul3A_9, %dma_start3A_122] : memref<10000x80xf32, #tpu.memory_space<vmem_shared>> -> memref<625x80xf32, #tpu.memory_space<vmem_shared>>
      tpu.enqueue_dma source(%dma_start3A_123 : memref<625x80xf32, #tpu.memory_space<vmem_shared>>) target(%dma_start3A_121 : memref<625x80xf32, #tpu.memory_space<hbm>>) target_semaphore(%run_scoped3A_118 : memref<!tpu.dma_semaphore, #tpu.memory_space<semaphore_mem>>)
      %dma_wait3A_124 = arith.constant 0 : i32
      %dma_wait3A_125 = tpu.memref_slice %arg4[%arg0, %mul3A_9, %dma_wait3A_124] : memref<2x10000x128xf32, #tpu.memory_space<hbm>> -> memref<1x625x80xf32, #tpu.memory_space<hbm>>
      %dma_wait3A_126 = tpu.memref_squeeze %dma_wait3A_125 : memref<1x625x80xf32, #tpu.memory_space<hbm>> -> memref<625x80xf32, #tpu.memory_space<hbm>>
      %dma_wait3A_127 = arith.constant 0 : i32
      %dma_wait3A_128 = tpu.memref_slice %arg9[%mul3A_9, %dma_wait3A_127] : memref<10000x80xf32, #tpu.memory_space<vmem_shared>> -> memref<625x80xf32, #tpu.memory_space<vmem_shared>>
      tpu.wait_dma2 semaphore(%run_scoped3A_118 : memref<!tpu.dma_semaphore, #tpu.memory_space<semaphore_mem>>) src(%dma_wait3A_128 : memref<625x80xf32, #tpu.memory_space<vmem_shared>>) dst(%dma_wait3A_126 : memref<625x80xf32, #tpu.memory_space<hbm>>)
      tpu.yield
    }) : () -> ()
    return
  }
}

#map = affine_map<(d0, d1) -> (0, 0)>
#map1 = affine_map<(d0, d1) -> (0, 0, 0)>
module attributes {stable_mosaic.version = 14 : i64} {
  func.func @body(%arg0: i32, %arg1: i32, %arg2: memref<10000x128xf32, #tpu.memory_space<hbm>>, %arg3: memref<2x320000xi32, #tpu.memory_space<hbm>>, %arg4: memref<2x10000x128xf32, #tpu.memory_space<hbm>>, %arg5: memref<10000xi32, #tpu.memory_space<vmem>>, %arg6: memref<125x80xi32, #tpu.memory_space<vmem>>, %arg7: memref<5x80x32xf32, #tpu.memory_space<vmem>>, %arg8: memref<10000x32xf32, #tpu.memory_space<vmem_shared>>, %arg9: memref<10000x32xf32, #tpu.memory_space<vmem_shared>>, %arg10: memref<5x!tpu.dma_semaphore, #tpu.memory_space<semaphore_mem>>, %arg11: memref<5x!tpu.dma_semaphore, #tpu.memory_space<semaphore_mem>>, %arg12: memref<!tpu.dma_semaphore, #tpu.memory_space<semaphore_mem>>) attributes {dimension_semantics = [#tpu.dimension_semantics<core_parallel>, #tpu.dimension_semantics<subcore_parallel>], iteration_bounds = array<i64: 2, 16>, scalar_prefetch = 0 : i64, scratch_operands = 8 : i64, tpu.core_type = #tpu.core_type<sc_vector_subcore>, window_params = [{transform_indices = #map}, {transform_indices = #map}, {transform_indices = #map1}]} {
    %mul3A = arith.constant 2 : i32
    %mul3A_0 = arith.muli %arg1, %mul3A : i32
    %add3A = arith.addi %mul3A_0, %arg0 : i32
    %mul3A_1 = arith.constant 10000 : i32
    %mul3A_2 = arith.muli %add3A, %mul3A_1 : i32
    %run_scoped3A = arith.constant 0 : i32
    "tpu.region"() ({
      %run_scoped3A_118 = tpu.sem_alloc : memref<!tpu.dma_semaphore, #tpu.memory_space<semaphore_mem>>
      %dma_start3A_119 = tpu.memref_slice %arg3[%run_scoped3A, %mul3A_2] : memref<2x320000xi32, #tpu.memory_space<hbm>> -> memref<1x10000xi32, #tpu.memory_space<hbm>>
      %dma_start3A_120 = tpu.memref_squeeze %dma_start3A_119 : memref<1x10000xi32, #tpu.memory_space<hbm>> -> memref<10000xi32, #tpu.memory_space<hbm>>
      %dma_start3A_121 = tpu.memref_slice %arg3[%run_scoped3A, %mul3A_2] : memref<2x320000xi32, #tpu.memory_space<hbm>> -> memref<1x10000xi32, #tpu.memory_space<hbm>>
      %dma_start3A_122 = tpu.memref_squeeze %dma_start3A_121 : memref<1x10000xi32, #tpu.memory_space<hbm>> -> memref<10000xi32, #tpu.memory_space<hbm>>
      tpu.enqueue_dma source(%dma_start3A_122 : memref<10000xi32, #tpu.memory_space<hbm>>) target(%arg5 : memref<10000xi32, #tpu.memory_space<vmem>>) target_semaphore(%run_scoped3A_118 : memref<!tpu.dma_semaphore, #tpu.memory_space<semaphore_mem>>)
      %dma_wait3A_123 = tpu.memref_slice %arg3[%run_scoped3A, %mul3A_2] : memref<2x320000xi32, #tpu.memory_space<hbm>> -> memref<1x10000xi32, #tpu.memory_space<hbm>>
      %dma_wait3A_124 = tpu.memref_squeeze %dma_wait3A_123 : memref<1x10000xi32, #tpu.memory_space<hbm>> -> memref<10000xi32, #tpu.memory_space<hbm>>
      %dma_wait3A_125 = tpu.memref_slice %arg3[%run_scoped3A, %mul3A_2] : memref<2x320000xi32, #tpu.memory_space<hbm>> -> memref<1x10000xi32, #tpu.memory_space<hbm>>
      %dma_wait3A_126 = tpu.memref_squeeze %dma_wait3A_125 : memref<1x10000xi32, #tpu.memory_space<hbm>> -> memref<10000xi32, #tpu.memory_space<hbm>>
      tpu.wait_dma2 semaphore(%run_scoped3A_118 : memref<!tpu.dma_semaphore, #tpu.memory_space<semaphore_mem>>) src(%dma_wait3A_126 : memref<10000xi32, #tpu.memory_space<hbm>>) dst(%arg5 : memref<10000xi32, #tpu.memory_space<vmem>>)
      tpu.yield
    }) : () -> ()
    %scan3A = arith.constant 0 : i32
    %scan3A_3 = arith.constant 0 : i32
    %scan3A_4 = arith.constant 125 : i32
    %scan3A_5 = arith.addi %scan3A_3, %scan3A_4 : i32
    %scan3A_6 = arith.constant 1 : i32
    scf.for %scan3A_118 = %scan3A_3 to %scan3A_5 step %scan3A_6  : i32 {
      %mul3A_119 = arith.constant 80 : i32
      %mul3A_120 = arith.muli %scan3A_118, %mul3A_119 : i32
      %add3A_121 = arith.addi %mul3A_2, %mul3A_120 : i32
      %dma_start3A_122 = arith.constant 1 : i32
      %dma_start3A_123 = arith.constant 0 : i32
      %dma_start3A_124 = tpu.memref_slice %arg6[%scan3A_118, %dma_start3A_123] : memref<125x80xi32, #tpu.memory_space<vmem>> -> memref<1x80xi32, #tpu.memory_space<vmem>>
      %dma_start3A_125 = tpu.memref_squeeze %dma_start3A_124 : memref<1x80xi32, #tpu.memory_space<vmem>> -> memref<80xi32, #tpu.memory_space<vmem>>
      %dma_start3A_126 = tpu.memref_slice %arg3[%dma_start3A_122, %add3A_121] : memref<2x320000xi32, #tpu.memory_space<hbm>> -> memref<1x80xi32, #tpu.memory_space<hbm>>
      %dma_start3A_127 = tpu.memref_squeeze %dma_start3A_126 : memref<1x80xi32, #tpu.memory_space<hbm>> -> memref<80xi32, #tpu.memory_space<hbm>>
      %dma_start3A_128 = arith.constant 0 : i32
      %dma_start3A_129 = tpu.memref_slice %arg6[%scan3A_118, %dma_start3A_128] : memref<125x80xi32, #tpu.memory_space<vmem>> -> memref<1x80xi32, #tpu.memory_space<vmem>>
      %dma_start3A_130 = tpu.memref_squeeze %dma_start3A_129 : memref<1x80xi32, #tpu.memory_space<vmem>> -> memref<80xi32, #tpu.memory_space<vmem>>
      %dma_start3A_131 = tpu.memref_slice %arg3[%dma_start3A_122, %add3A_121] : memref<2x320000xi32, #tpu.memory_space<hbm>> -> memref<1x80xi32, #tpu.memory_space<hbm>>
      %dma_start3A_132 = tpu.memref_squeeze %dma_start3A_131 : memref<1x80xi32, #tpu.memory_space<hbm>> -> memref<80xi32, #tpu.memory_space<hbm>>
      tpu.enqueue_dma source(%dma_start3A_132 : memref<80xi32, #tpu.memory_space<hbm>>) target(%dma_start3A_130 : memref<80xi32, #tpu.memory_space<vmem>>) target_semaphore(%arg12 : memref<!tpu.dma_semaphore, #tpu.memory_space<semaphore_mem>>)
    }
    %scan3A_7 = arith.constant 125 : i32
    %mul3A_8 = arith.constant 625 : i32
    %mul3A_9 = arith.muli %arg1, %mul3A_8 : i32
    "tpu.region"() ({
      %run_scoped3A_118 = tpu.sem_alloc : memref<!tpu.dma_semaphore, #tpu.memory_space<semaphore_mem>>
      %dma_start3A_119 = arith.constant 0 : i32
      %dma_start3A_120 = tpu.memref_slice %arg8[%mul3A_9, %dma_start3A_119] : memref<10000x32xf32, #tpu.memory_space<vmem_shared>> -> memref<625x32xf32, #tpu.memory_space<vmem_shared>>
      %dma_start3A_121 = arith.constant 0 : i32
      %dma_start3A_122 = tpu.memref_slice %arg2[%mul3A_9, %dma_start3A_121] : memref<10000x128xf32, #tpu.memory_space<hbm>> -> memref<625x32xf32, #tpu.memory_space<hbm>>
      tpu.enqueue_dma source(%dma_start3A_122 : memref<625x32xf32, #tpu.memory_space<hbm>>) target(%dma_start3A_120 : memref<625x32xf32, #tpu.memory_space<vmem_shared>>) target_semaphore(%run_scoped3A_118 : memref<!tpu.dma_semaphore, #tpu.memory_space<semaphore_mem>>)
      %dma_wait3A_123 = arith.constant 0 : i32
      %dma_wait3A_124 = tpu.memref_slice %arg8[%mul3A_9, %dma_wait3A_123] : memref<10000x32xf32, #tpu.memory_space<vmem_shared>> -> memref<625x32xf32, #tpu.memory_space<vmem_shared>>
      %dma_wait3A_125 = arith.constant 0 : i32
      %dma_wait3A_126 = tpu.memref_slice %arg2[%mul3A_9, %dma_wait3A_125] : memref<10000x128xf32, #tpu.memory_space<hbm>> -> memref<625x32xf32, #tpu.memory_space<hbm>>
      tpu.wait_dma2 semaphore(%run_scoped3A_118 : memref<!tpu.dma_semaphore, #tpu.memory_space<semaphore_mem>>) src(%dma_wait3A_126 : memref<625x32xf32, #tpu.memory_space<hbm>>) dst(%dma_wait3A_124 : memref<625x32xf32, #tpu.memory_space<vmem_shared>>)
      tpu.yield
    }) : () -> ()
    %scan3A_10 = arith.constant 0 : i32
    %scan3A_11 = arith.constant 0 : i32
    %scan3A_12 = arith.constant 160 : i32
    %scan3A_13 = arith.addi %scan3A_11, %scan3A_12 : i32
    %scan3A_14 = arith.constant 1 : i32
    scf.for %scan3A_118 = %scan3A_11 to %scan3A_13 step %scan3A_14  : i32 {
      %jit3A = arith.constant 2 : i32
      %div3A = arith.divsi %scan3A_118, %jit3A : i32
      %sign3A = arith.constant 0 : i32
      %sign3A_119 = arith.cmpi sgt, %scan3A_118, %sign3A : i32
      %sign3A_120 = arith.extui %sign3A_119 : i1 to i32
      %sign3A_121 = arith.constant 0 : i32
      %sign3A_122 = arith.cmpi slt, %scan3A_118, %sign3A_121 : i32
      %sign3A_123 = arith.extui %sign3A_122 : i1 to i32
      %sign3A_124 = arith.subi %sign3A_120, %sign3A_123 : i32
      %sign3A_125 = arith.constant 0 : i32
      %sign3A_126 = arith.cmpi sgt, %jit3A, %sign3A_125 : i32
      %sign3A_127 = arith.extui %sign3A_126 : i1 to i32
      %sign3A_128 = arith.constant 0 : i32
      %sign3A_129 = arith.cmpi slt, %jit3A, %sign3A_128 : i32
      %sign3A_130 = arith.extui %sign3A_129 : i1 to i32
      %sign3A_131 = arith.subi %sign3A_127, %sign3A_130 : i32
      %ne3A = arith.cmpi ne, %sign3A_124, %sign3A_131 : i32
      %rem3A = arith.remsi %scan3A_118, %jit3A : i32
      %ne3A_132 = arith.constant 0 : i32
      %ne3A_133 = arith.cmpi ne, %rem3A, %ne3A_132 : i32
      %and3A = arith.andi %ne3A, %ne3A_133 : i1
      %sub3A = arith.constant 1 : i32
      %sub3A_134 = arith.subi %div3A, %sub3A : i32
      %select_n3A = arith.select %and3A, %sub3A_134, %div3A : i32
      %rem3A_135 = arith.constant 2 : i32
      %rem3A_136 = arith.remsi %scan3A_118, %rem3A_135 : i32
      %mul3A_137 = arith.constant 16 : i32
      %mul3A_138 = arith.muli %rem3A_136, %mul3A_137 : i32
      %broadcast_in_dim3A = arith.constant 0.000000e+00 : f32
      %broadcast_in_dim3A_139 = vector.broadcast %broadcast_in_dim3A : f32 to vector<16xf32>
      %swap3A = arith.constant 0 : i32
      %swap3A_140 = arith.index_cast %swap3A : i32 to index
      %swap3A_141 = arith.index_cast %select_n3A : i32 to index
      %swap3A_142 = arith.index_cast %mul3A_138 : i32 to index
      %swap3A_143 = tpu.vector_load %arg7[%swap3A_140, %swap3A_141, %swap3A_142] {strides = array<i32>} : memref<5x80x32xf32, #tpu.memory_space<vmem>>, vector<1x1x16xf32>,
      %swap3A_144 = vector.shape_cast %swap3A_143 : vector<1x1x16xf32> to vector<16xf32>
      %swap3A_145 = vector.shape_cast %broadcast_in_dim3A_139 : vector<16xf32> to vector<1x1x16xf32>
      tpu.vector_store %arg7[%swap3A_140, %swap3A_141, %swap3A_142], %swap3A_145 {strides = array<i32>} : memref<5x80x32xf32, #tpu.memory_space<vmem>>, vector<1x1x16xf32>,
    }
    %scan3A_15 = arith.constant 160 : i32
    %add3A_16 = arith.constant 0 : i32
    %add3A_17 = arith.addi %mul3A_9, %add3A_16 : i32
    %run_scoped3A_18 = arith.constant 0 : i32
    "tpu.region"() ({
      %run_scoped3A_118 = tpu.sem_alloc : memref<!tpu.dma_semaphore, #tpu.memory_space<semaphore_mem>>
      %dma_start3A_119 = arith.constant 0 : i32
      %dma_start3A_120 = arith.constant 0 : i32
      %dma_start3A_121 = tpu.memref_slice %arg7[%run_scoped3A_18, %dma_start3A_119, %dma_start3A_120] : memref<5x80x32xf32, #tpu.memory_space<vmem>> -> memref<1x80x32xf32, #tpu.memory_space<vmem>>
      %dma_start3A_122 = tpu.memref_squeeze %dma_start3A_121 : memref<1x80x32xf32, #tpu.memory_space<vmem>> -> memref<80x32xf32, #tpu.memory_space<vmem>>
      %dma_start3A_123 = arith.constant 0 : i32
      %dma_start3A_124 = tpu.memref_slice %arg9[%add3A_17, %dma_start3A_123] : memref<10000x32xf32, #tpu.memory_space<vmem_shared>> -> memref<80x32xf32, #tpu.memory_space<vmem_shared>>
      %dma_start3A_125 = arith.constant 0 : i32
      %dma_start3A_126 = tpu.memref_slice %arg9[%add3A_17, %dma_start3A_125] : memref<10000x32xf32, #tpu.memory_space<vmem_shared>> -> memref<80x32xf32, #tpu.memory_space<vmem_shared>>
      %dma_start3A_127 = arith.constant 0 : i32
      %dma_start3A_128 = arith.constant 0 : i32
      %dma_start3A_129 = tpu.memref_slice %arg7[%run_scoped3A_18, %dma_start3A_127, %dma_start3A_128] : memref<5x80x32xf32, #tpu.memory_space<vmem>> -> memref<1x80x32xf32, #tpu.memory_space<vmem>>
      %dma_start3A_130 = tpu.memref_squeeze %dma_start3A_129 : memref<1x80x32xf32, #tpu.memory_space<vmem>> -> memref<80x32xf32, #tpu.memory_space<vmem>>
      tpu.enqueue_dma source(%dma_start3A_130 : memref<80x32xf32, #tpu.memory_space<vmem>>) target(%dma_start3A_126 : memref<80x32xf32, #tpu.memory_space<vmem_shared>>) target_semaphore(%run_scoped3A_118 : memref<!tpu.dma_semaphore, #tpu.memory_space<semaphore_mem>>)
      %dma_wait3A_131 = arith.constant 0 : i32
      %dma_wait3A_132 = arith.constant 0 : i32
      %dma_wait3A_133 = tpu.memref_slice %arg7[%run_scoped3A_18, %dma_wait3A_131, %dma_wait3A_132] : memref<5x80x32xf32, #tpu.memory_space<vmem>> -> memref<1x80x32xf32, #tpu.memory_space<vmem>>
      %dma_wait3A_134 = tpu.memref_squeeze %dma_wait3A_133 : memref<1x80x32xf32, #tpu.memory_space<vmem>> -> memref<80x32xf32, #tpu.memory_space<vmem>>
      %dma_wait3A_135 = arith.constant 0 : i32
      %dma_wait3A_136 = tpu.memref_slice %arg9[%add3A_17, %dma_wait3A_135] : memref<10000x32xf32, #tpu.memory_space<vmem_shared>> -> memref<80x32xf32, #tpu.memory_space<vmem_shared>>
      %dma_wait3A_137 = arith.constant 0 : i32
      %dma_wait3A_138 = tpu.memref_slice %arg9[%add3A_17, %dma_wait3A_137] : memref<10000x32xf32, #tpu.memory_space<vmem_shared>> -> memref<80x32xf32, #tpu.memory_space<vmem_shared>>
      %dma_wait3A_139 = arith.constant 0 : i32
      %dma_wait3A_140 = arith.constant 0 : i32
      %dma_wait3A_141 = tpu.memref_slice %arg7[%run_scoped3A_18, %dma_wait3A_139, %dma_wait3A_140] : memref<5x80x32xf32, #tpu.memory_space<vmem>> -> memref<1x80x32xf32, #tpu.memory_space<vmem>>
      %dma_wait3A_142 = tpu.memref_squeeze %dma_wait3A_141 : memref<1x80x32xf32, #tpu.memory_space<vmem>> -> memref<80x32xf32, #tpu.memory_space<vmem>>
      tpu.wait_dma2 semaphore(%run_scoped3A_118 : memref<!tpu.dma_semaphore, #tpu.memory_space<semaphore_mem>>) src(%dma_wait3A_142 : memref<80x32xf32, #tpu.memory_space<vmem>>) dst(%dma_wait3A_138 : memref<80x32xf32, #tpu.memory_space<vmem_shared>>)
      tpu.yield
    }) : () -> ()
    %add3A_19 = arith.constant 80 : i32
    %add3A_20 = arith.addi %mul3A_9, %add3A_19 : i32
    %run_scoped3A_21 = arith.constant 0 : i32
    "tpu.region"() ({
      %run_scoped3A_118 = tpu.sem_alloc : memref<!tpu.dma_semaphore, #tpu.memory_space<semaphore_mem>>
      %dma_start3A_119 = arith.constant 0 : i32
      %dma_start3A_120 = arith.constant 0 : i32
      %dma_start3A_121 = tpu.memref_slice %arg7[%run_scoped3A_21, %dma_start3A_119, %dma_start3A_120] : memref<5x80x32xf32, #tpu.memory_space<vmem>> -> memref<1x80x32xf32, #tpu.memory_space<vmem>>
      %dma_start3A_122 = tpu.memref_squeeze %dma_start3A_121 : memref<1x80x32xf32, #tpu.memory_space<vmem>> -> memref<80x32xf32, #tpu.memory_space<vmem>>
      %dma_start3A_123 = arith.constant 0 : i32
      %dma_start3A_124 = tpu.memref_slice %arg9[%add3A_20, %dma_start3A_123] : memref<10000x32xf32, #tpu.memory_space<vmem_shared>> -> memref<80x32xf32, #tpu.memory_space<vmem_shared>>
      %dma_start3A_125 = arith.constant 0 : i32
      %dma_start3A_126 = tpu.memref_slice %arg9[%add3A_20, %dma_start3A_125] : memref<10000x32xf32, #tpu.memory_space<vmem_shared>> -> memref<80x32xf32, #tpu.memory_space<vmem_shared>>
      %dma_start3A_127 = arith.constant 0 : i32
      %dma_start3A_128 = arith.constant 0 : i32
      %dma_start3A_129 = tpu.memref_slice %arg7[%run_scoped3A_21, %dma_start3A_127, %dma_start3A_128] : memref<5x80x32xf32, #tpu.memory_space<vmem>> -> memref<1x80x32xf32, #tpu.memory_space<vmem>>
      %dma_start3A_130 = tpu.memref_squeeze %dma_start3A_129 : memref<1x80x32xf32, #tpu.memory_space<vmem>> -> memref<80x32xf32, #tpu.memory_space<vmem>>
      tpu.enqueue_dma source(%dma_start3A_130 : memref<80x32xf32, #tpu.memory_space<vmem>>) target(%dma_start3A_126 : memref<80x32xf32, #tpu.memory_space<vmem_shared>>) target_semaphore(%run_scoped3A_118 : memref<!tpu.dma_semaphore, #tpu.memory_space<semaphore_mem>>)
      %dma_wait3A_131 = arith.constant 0 : i32
      %dma_wait3A_132 = arith.constant 0 : i32
      %dma_wait3A_133 = tpu.memref_slice %arg7[%run_scoped3A_21, %dma_wait3A_131, %dma_wait3A_132] : memref<5x80x32xf32, #tpu.memory_space<vmem>> -> memref<1x80x32xf32, #tpu.memory_space<vmem>>
      %dma_wait3A_134 = tpu.memref_squeeze %dma_wait3A_133 : memref<1x80x32xf32, #tpu.memory_space<vmem>> -> memref<80x32xf32, #tpu.memory_space<vmem>>
      %dma_wait3A_135 = arith.constant 0 : i32
      %dma_wait3A_136 = tpu.memref_slice %arg9[%add3A_20, %dma_wait3A_135] : memref<10000x32xf32, #tpu.memory_space<vmem_shared>> -> memref<80x32xf32, #tpu.memory_space<vmem_shared>>
      %dma_wait3A_137 = arith.constant 0 : i32
      %dma_wait3A_138 = tpu.memref_slice %arg9[%add3A_20, %dma_wait3A_137] : memref<10000x32xf32, #tpu.memory_space<vmem_shared>> -> memref<80x32xf32, #tpu.memory_space<vmem_shared>>
      %dma_wait3A_139 = arith.constant 0 : i32
      %dma_wait3A_140 = arith.constant 0 : i32
      %dma_wait3A_141 = tpu.memref_slice %arg7[%run_scoped3A_21, %dma_wait3A_139, %dma_wait3A_140] : memref<5x80x32xf32, #tpu.memory_space<vmem>> -> memref<1x80x32xf32, #tpu.memory_space<vmem>>
      %dma_wait3A_142 = tpu.memref_squeeze %dma_wait3A_141 : memref<1x80x32xf32, #tpu.memory_space<vmem>> -> memref<80x32xf32, #tpu.memory_space<vmem>>
      tpu.wait_dma2 semaphore(%run_scoped3A_118 : memref<!tpu.dma_semaphore, #tpu.memory_space<semaphore_mem>>) src(%dma_wait3A_142 : memref<80x32xf32, #tpu.memory_space<vmem>>) dst(%dma_wait3A_138 : memref<80x32xf32, #tpu.memory_space<vmem_shared>>)
      tpu.yield
    }) : () -> ()
    %add3A_22 = arith.constant 160 : i32
    %add3A_23 = arith.addi %mul3A_9, %add3A_22 : i32
    %run_scoped3A_24 = arith.constant 0 : i32
    "tpu.region"() ({
      %run_scoped3A_118 = tpu.sem_alloc : memref<!tpu.dma_semaphore, #tpu.memory_space<semaphore_mem>>
      %dma_start3A_119 = arith.constant 0 : i32
      %dma_start3A_120 = arith.constant 0 : i32
      %dma_start3A_121 = tpu.memref_slice %arg7[%run_scoped3A_24, %dma_start3A_119, %dma_start3A_120] : memref<5x80x32xf32, #tpu.memory_space<vmem>> -> memref<1x80x32xf32, #tpu.memory_space<vmem>>
      %dma_start3A_122 = tpu.memref_squeeze %dma_start3A_121 : memref<1x80x32xf32, #tpu.memory_space<vmem>> -> memref<80x32xf32, #tpu.memory_space<vmem>>
      %dma_start3A_123 = arith.constant 0 : i32
      %dma_start3A_124 = tpu.memref_slice %arg9[%add3A_23, %dma_start3A_123] : memref<10000x32xf32, #tpu.memory_space<vmem_shared>> -> memref<80x32xf32, #tpu.memory_space<vmem_shared>>
      %dma_start3A_125 = arith.constant 0 : i32
      %dma_start3A_126 = tpu.memref_slice %arg9[%add3A_23, %dma_start3A_125] : memref<10000x32xf32, #tpu.memory_space<vmem_shared>> -> memref<80x32xf32, #tpu.memory_space<vmem_shared>>
      %dma_start3A_127 = arith.constant 0 : i32
      %dma_start3A_128 = arith.constant 0 : i32
      %dma_start3A_129 = tpu.memref_slice %arg7[%run_scoped3A_24, %dma_start3A_127, %dma_start3A_128] : memref<5x80x32xf32, #tpu.memory_space<vmem>> -> memref<1x80x32xf32, #tpu.memory_space<vmem>>
      %dma_start3A_130 = tpu.memref_squeeze %dma_start3A_129 : memref<1x80x32xf32, #tpu.memory_space<vmem>> -> memref<80x32xf32, #tpu.memory_space<vmem>>
      tpu.enqueue_dma source(%dma_start3A_130 : memref<80x32xf32, #tpu.memory_space<vmem>>) target(%dma_start3A_126 : memref<80x32xf32, #tpu.memory_space<vmem_shared>>) target_semaphore(%run_scoped3A_118 : memref<!tpu.dma_semaphore, #tpu.memory_space<semaphore_mem>>)
      %dma_wait3A_131 = arith.constant 0 : i32
      %dma_wait3A_132 = arith.constant 0 : i32
      %dma_wait3A_133 = tpu.memref_slice %arg7[%run_scoped3A_24, %dma_wait3A_131, %dma_wait3A_132] : memref<5x80x32xf32, #tpu.memory_space<vmem>> -> memref<1x80x32xf32, #tpu.memory_space<vmem>>
      %dma_wait3A_134 = tpu.memref_squeeze %dma_wait3A_133 : memref<1x80x32xf32, #tpu.memory_space<vmem>> -> memref<80x32xf32, #tpu.memory_space<vmem>>
      %dma_wait3A_135 = arith.constant 0 : i32
      %dma_wait3A_136 = tpu.memref_slice %arg9[%add3A_23, %dma_wait3A_135] : memref<10000x32xf32, #tpu.memory_space<vmem_shared>> -> memref<80x32xf32, #tpu.memory_space<vmem_shared>>
      %dma_wait3A_137 = arith.constant 0 : i32
      %dma_wait3A_138 = tpu.memref_slice %arg9[%add3A_23, %dma_wait3A_137] : memref<10000x32xf32, #tpu.memory_space<vmem_shared>> -> memref<80x32xf32, #tpu.memory_space<vmem_shared>>
      %dma_wait3A_139 = arith.constant 0 : i32
      %dma_wait3A_140 = arith.constant 0 : i32
      %dma_wait3A_141 = tpu.memref_slice %arg7[%run_scoped3A_24, %dma_wait3A_139, %dma_wait3A_140] : memref<5x80x32xf32, #tpu.memory_space<vmem>> -> memref<1x80x32xf32, #tpu.memory_space<vmem>>
      %dma_wait3A_142 = tpu.memref_squeeze %dma_wait3A_141 : memref<1x80x32xf32, #tpu.memory_space<vmem>> -> memref<80x32xf32, #tpu.memory_space<vmem>>
      tpu.wait_dma2 semaphore(%run_scoped3A_118 : memref<!tpu.dma_semaphore, #tpu.memory_space<semaphore_mem>>) src(%dma_wait3A_142 : memref<80x32xf32, #tpu.memory_space<vmem>>) dst(%dma_wait3A_138 : memref<80x32xf32, #tpu.memory_space<vmem_shared>>)
      tpu.yield
    }) : () -> ()
    %add3A_25 = arith.constant 240 : i32
    %add3A_26 = arith.addi %mul3A_9, %add3A_25 : i32
    %run_scoped3A_27 = arith.constant 0 : i32
    "tpu.region"() ({
      %run_scoped3A_118 = tpu.sem_alloc : memref<!tpu.dma_semaphore, #tpu.memory_space<semaphore_mem>>
      %dma_start3A_119 = arith.constant 0 : i32
      %dma_start3A_120 = arith.constant 0 : i32
      %dma_start3A_121 = tpu.memref_slice %arg7[%run_scoped3A_27, %dma_start3A_119, %dma_start3A_120] : memref<5x80x32xf32, #tpu.memory_space<vmem>> -> memref<1x80x32xf32, #tpu.memory_space<vmem>>
      %dma_start3A_122 = tpu.memref_squeeze %dma_start3A_121 : memref<1x80x32xf32, #tpu.memory_space<vmem>> -> memref<80x32xf32, #tpu.memory_space<vmem>>
      %dma_start3A_123 = arith.constant 0 : i32
      %dma_start3A_124 = tpu.memref_slice %arg9[%add3A_26, %dma_start3A_123] : memref<10000x32xf32, #tpu.memory_space<vmem_shared>> -> memref<80x32xf32, #tpu.memory_space<vmem_shared>>
      %dma_start3A_125 = arith.constant 0 : i32
      %dma_start3A_126 = tpu.memref_slice %arg9[%add3A_26, %dma_start3A_125] : memref<10000x32xf32, #tpu.memory_space<vmem_shared>> -> memref<80x32xf32, #tpu.memory_space<vmem_shared>>
      %dma_start3A_127 = arith.constant 0 : i32
      %dma_start3A_128 = arith.constant 0 : i32
      %dma_start3A_129 = tpu.memref_slice %arg7[%run_scoped3A_27, %dma_start3A_127, %dma_start3A_128] : memref<5x80x32xf32, #tpu.memory_space<vmem>> -> memref<1x80x32xf32, #tpu.memory_space<vmem>>
      %dma_start3A_130 = tpu.memref_squeeze %dma_start3A_129 : memref<1x80x32xf32, #tpu.memory_space<vmem>> -> memref<80x32xf32, #tpu.memory_space<vmem>>
      tpu.enqueue_dma source(%dma_start3A_130 : memref<80x32xf32, #tpu.memory_space<vmem>>) target(%dma_start3A_126 : memref<80x32xf32, #tpu.memory_space<vmem_shared>>) target_semaphore(%run_scoped3A_118 : memref<!tpu.dma_semaphore, #tpu.memory_space<semaphore_mem>>)
      %dma_wait3A_131 = arith.constant 0 : i32
      %dma_wait3A_132 = arith.constant 0 : i32
      %dma_wait3A_133 = tpu.memref_slice %arg7[%run_scoped3A_27, %dma_wait3A_131, %dma_wait3A_132] : memref<5x80x32xf32, #tpu.memory_space<vmem>> -> memref<1x80x32xf32, #tpu.memory_space<vmem>>
      %dma_wait3A_134 = tpu.memref_squeeze %dma_wait3A_133 : memref<1x80x32xf32, #tpu.memory_space<vmem>> -> memref<80x32xf32, #tpu.memory_space<vmem>>
      %dma_wait3A_135 = arith.constant 0 : i32
      %dma_wait3A_136 = tpu.memref_slice %arg9[%add3A_26, %dma_wait3A_135] : memref<10000x32xf32, #tpu.memory_space<vmem_shared>> -> memref<80x32xf32, #tpu.memory_space<vmem_shared>>
      %dma_wait3A_137 = arith.constant 0 : i32
      %dma_wait3A_138 = tpu.memref_slice %arg9[%add3A_26, %dma_wait3A_137] : memref<10000x32xf32, #tpu.memory_space<vmem_shared>> -> memref<80x32xf32, #tpu.memory_space<vmem_shared>>
      %dma_wait3A_139 = arith.constant 0 : i32
      %dma_wait3A_140 = arith.constant 0 : i32
      %dma_wait3A_141 = tpu.memref_slice %arg7[%run_scoped3A_27, %dma_wait3A_139, %dma_wait3A_140] : memref<5x80x32xf32, #tpu.memory_space<vmem>> -> memref<1x80x32xf32, #tpu.memory_space<vmem>>
      %dma_wait3A_142 = tpu.memref_squeeze %dma_wait3A_141 : memref<1x80x32xf32, #tpu.memory_space<vmem>> -> memref<80x32xf32, #tpu.memory_space<vmem>>
      tpu.wait_dma2 semaphore(%run_scoped3A_118 : memref<!tpu.dma_semaphore, #tpu.memory_space<semaphore_mem>>) src(%dma_wait3A_142 : memref<80x32xf32, #tpu.memory_space<vmem>>) dst(%dma_wait3A_138 : memref<80x32xf32, #tpu.memory_space<vmem_shared>>)
      tpu.yield
    }) : () -> ()
    %add3A_28 = arith.constant 320 : i32
    %add3A_29 = arith.addi %mul3A_9, %add3A_28 : i32
    %run_scoped3A_30 = arith.constant 0 : i32
    "tpu.region"() ({
      %run_scoped3A_118 = tpu.sem_alloc : memref<!tpu.dma_semaphore, #tpu.memory_space<semaphore_mem>>
      %dma_start3A_119 = arith.constant 0 : i32
      %dma_start3A_120 = arith.constant 0 : i32
      %dma_start3A_121 = tpu.memref_slice %arg7[%run_scoped3A_30, %dma_start3A_119, %dma_start3A_120] : memref<5x80x32xf32, #tpu.memory_space<vmem>> -> memref<1x80x32xf32, #tpu.memory_space<vmem>>
      %dma_start3A_122 = tpu.memref_squeeze %dma_start3A_121 : memref<1x80x32xf32, #tpu.memory_space<vmem>> -> memref<80x32xf32, #tpu.memory_space<vmem>>
      %dma_start3A_123 = arith.constant 0 : i32
      %dma_start3A_124 = tpu.memref_slice %arg9[%add3A_29, %dma_start3A_123] : memref<10000x32xf32, #tpu.memory_space<vmem_shared>> -> memref<80x32xf32, #tpu.memory_space<vmem_shared>>
      %dma_start3A_125 = arith.constant 0 : i32
      %dma_start3A_126 = tpu.memref_slice %arg9[%add3A_29, %dma_start3A_125] : memref<10000x32xf32, #tpu.memory_space<vmem_shared>> -> memref<80x32xf32, #tpu.memory_space<vmem_shared>>
      %dma_start3A_127 = arith.constant 0 : i32
      %dma_start3A_128 = arith.constant 0 : i32
      %dma_start3A_129 = tpu.memref_slice %arg7[%run_scoped3A_30, %dma_start3A_127, %dma_start3A_128] : memref<5x80x32xf32, #tpu.memory_space<vmem>> -> memref<1x80x32xf32, #tpu.memory_space<vmem>>
      %dma_start3A_130 = tpu.memref_squeeze %dma_start3A_129 : memref<1x80x32xf32, #tpu.memory_space<vmem>> -> memref<80x32xf32, #tpu.memory_space<vmem>>
      tpu.enqueue_dma source(%dma_start3A_130 : memref<80x32xf32, #tpu.memory_space<vmem>>) target(%dma_start3A_126 : memref<80x32xf32, #tpu.memory_space<vmem_shared>>) target_semaphore(%run_scoped3A_118 : memref<!tpu.dma_semaphore, #tpu.memory_space<semaphore_mem>>)
      %dma_wait3A_131 = arith.constant 0 : i32
      %dma_wait3A_132 = arith.constant 0 : i32
      %dma_wait3A_133 = tpu.memref_slice %arg7[%run_scoped3A_30, %dma_wait3A_131, %dma_wait3A_132] : memref<5x80x32xf32, #tpu.memory_space<vmem>> -> memref<1x80x32xf32, #tpu.memory_space<vmem>>
      %dma_wait3A_134 = tpu.memref_squeeze %dma_wait3A_133 : memref<1x80x32xf32, #tpu.memory_space<vmem>> -> memref<80x32xf32, #tpu.memory_space<vmem>>
      %dma_wait3A_135 = arith.constant 0 : i32
      %dma_wait3A_136 = tpu.memref_slice %arg9[%add3A_29, %dma_wait3A_135] : memref<10000x32xf32, #tpu.memory_space<vmem_shared>> -> memref<80x32xf32, #tpu.memory_space<vmem_shared>>
      %dma_wait3A_137 = arith.constant 0 : i32
      %dma_wait3A_138 = tpu.memref_slice %arg9[%add3A_29, %dma_wait3A_137] : memref<10000x32xf32, #tpu.memory_space<vmem_shared>> -> memref<80x32xf32, #tpu.memory_space<vmem_shared>>
      %dma_wait3A_139 = arith.constant 0 : i32
      %dma_wait3A_140 = arith.constant 0 : i32
      %dma_wait3A_141 = tpu.memref_slice %arg7[%run_scoped3A_30, %dma_wait3A_139, %dma_wait3A_140] : memref<5x80x32xf32, #tpu.memory_space<vmem>> -> memref<1x80x32xf32, #tpu.memory_space<vmem>>
      %dma_wait3A_142 = tpu.memref_squeeze %dma_wait3A_141 : memref<1x80x32xf32, #tpu.memory_space<vmem>> -> memref<80x32xf32, #tpu.memory_space<vmem>>
      tpu.wait_dma2 semaphore(%run_scoped3A_118 : memref<!tpu.dma_semaphore, #tpu.memory_space<semaphore_mem>>) src(%dma_wait3A_142 : memref<80x32xf32, #tpu.memory_space<vmem>>) dst(%dma_wait3A_138 : memref<80x32xf32, #tpu.memory_space<vmem_shared>>)
      tpu.yield
    }) : () -> ()
    %add3A_31 = arith.constant 400 : i32
    %add3A_32 = arith.addi %mul3A_9, %add3A_31 : i32
    %run_scoped3A_33 = arith.constant 0 : i32
    "tpu.region"() ({
      %run_scoped3A_118 = tpu.sem_alloc : memref<!tpu.dma_semaphore, #tpu.memory_space<semaphore_mem>>
      %dma_start3A_119 = arith.constant 0 : i32
      %dma_start3A_120 = arith.constant 0 : i32
      %dma_start3A_121 = tpu.memref_slice %arg7[%run_scoped3A_33, %dma_start3A_119, %dma_start3A_120] : memref<5x80x32xf32, #tpu.memory_space<vmem>> -> memref<1x80x32xf32, #tpu.memory_space<vmem>>
      %dma_start3A_122 = tpu.memref_squeeze %dma_start3A_121 : memref<1x80x32xf32, #tpu.memory_space<vmem>> -> memref<80x32xf32, #tpu.memory_space<vmem>>
      %dma_start3A_123 = arith.constant 0 : i32
      %dma_start3A_124 = tpu.memref_slice %arg9[%add3A_32, %dma_start3A_123] : memref<10000x32xf32, #tpu.memory_space<vmem_shared>> -> memref<80x32xf32, #tpu.memory_space<vmem_shared>>
      %dma_start3A_125 = arith.constant 0 : i32
      %dma_start3A_126 = tpu.memref_slice %arg9[%add3A_32, %dma_start3A_125] : memref<10000x32xf32, #tpu.memory_space<vmem_shared>> -> memref<80x32xf32, #tpu.memory_space<vmem_shared>>
      %dma_start3A_127 = arith.constant 0 : i32
      %dma_start3A_128 = arith.constant 0 : i32
      %dma_start3A_129 = tpu.memref_slice %arg7[%run_scoped3A_33, %dma_start3A_127, %dma_start3A_128] : memref<5x80x32xf32, #tpu.memory_space<vmem>> -> memref<1x80x32xf32, #tpu.memory_space<vmem>>
      %dma_start3A_130 = tpu.memref_squeeze %dma_start3A_129 : memref<1x80x32xf32, #tpu.memory_space<vmem>> -> memref<80x32xf32, #tpu.memory_space<vmem>>
      tpu.enqueue_dma source(%dma_start3A_130 : memref<80x32xf32, #tpu.memory_space<vmem>>) target(%dma_start3A_126 : memref<80x32xf32, #tpu.memory_space<vmem_shared>>) target_semaphore(%run_scoped3A_118 : memref<!tpu.dma_semaphore, #tpu.memory_space<semaphore_mem>>)
      %dma_wait3A_131 = arith.constant 0 : i32
      %dma_wait3A_132 = arith.constant 0 : i32
      %dma_wait3A_133 = tpu.memref_slice %arg7[%run_scoped3A_33, %dma_wait3A_131, %dma_wait3A_132] : memref<5x80x32xf32, #tpu.memory_space<vmem>> -> memref<1x80x32xf32, #tpu.memory_space<vmem>>
      %dma_wait3A_134 = tpu.memref_squeeze %dma_wait3A_133 : memref<1x80x32xf32, #tpu.memory_space<vmem>> -> memref<80x32xf32, #tpu.memory_space<vmem>>
      %dma_wait3A_135 = arith.constant 0 : i32
      %dma_wait3A_136 = tpu.memref_slice %arg9[%add3A_32, %dma_wait3A_135] : memref<10000x32xf32, #tpu.memory_space<vmem_shared>> -> memref<80x32xf32, #tpu.memory_space<vmem_shared>>
      %dma_wait3A_137 = arith.constant 0 : i32
      %dma_wait3A_138 = tpu.memref_slice %arg9[%add3A_32, %dma_wait3A_137] : memref<10000x32xf32, #tpu.memory_space<vmem_shared>> -> memref<80x32xf32, #tpu.memory_space<vmem_shared>>
      %dma_wait3A_139 = arith.constant 0 : i32
      %dma_wait3A_140 = arith.constant 0 : i32
      %dma_wait3A_141 = tpu.memref_slice %arg7[%run_scoped3A_33, %dma_wait3A_139, %dma_wait3A_140] : memref<5x80x32xf32, #tpu.memory_space<vmem>> -> memref<1x80x32xf32, #tpu.memory_space<vmem>>
      %dma_wait3A_142 = tpu.memref_squeeze %dma_wait3A_141 : memref<1x80x32xf32, #tpu.memory_space<vmem>> -> memref<80x32xf32, #tpu.memory_space<vmem>>
      tpu.wait_dma2 semaphore(%run_scoped3A_118 : memref<!tpu.dma_semaphore, #tpu.memory_space<semaphore_mem>>) src(%dma_wait3A_142 : memref<80x32xf32, #tpu.memory_space<vmem>>) dst(%dma_wait3A_138 : memref<80x32xf32, #tpu.memory_space<vmem_shared>>)
      tpu.yield
    }) : () -> ()
    %add3A_34 = arith.constant 480 : i32
    %add3A_35 = arith.addi %mul3A_9, %add3A_34 : i32
    %run_scoped3A_36 = arith.constant 0 : i32
    "tpu.region"() ({
      %run_scoped3A_118 = tpu.sem_alloc : memref<!tpu.dma_semaphore, #tpu.memory_space<semaphore_mem>>
      %dma_start3A_119 = arith.constant 0 : i32
      %dma_start3A_120 = arith.constant 0 : i32
      %dma_start3A_121 = tpu.memref_slice %arg7[%run_scoped3A_36, %dma_start3A_119, %dma_start3A_120] : memref<5x80x32xf32, #tpu.memory_space<vmem>> -> memref<1x80x32xf32, #tpu.memory_space<vmem>>
      %dma_start3A_122 = tpu.memref_squeeze %dma_start3A_121 : memref<1x80x32xf32, #tpu.memory_space<vmem>> -> memref<80x32xf32, #tpu.memory_space<vmem>>
      %dma_start3A_123 = arith.constant 0 : i32
      %dma_start3A_124 = tpu.memref_slice %arg9[%add3A_35, %dma_start3A_123] : memref<10000x32xf32, #tpu.memory_space<vmem_shared>> -> memref<80x32xf32, #tpu.memory_space<vmem_shared>>
      %dma_start3A_125 = arith.constant 0 : i32
      %dma_start3A_126 = tpu.memref_slice %arg9[%add3A_35, %dma_start3A_125] : memref<10000x32xf32, #tpu.memory_space<vmem_shared>> -> memref<80x32xf32, #tpu.memory_space<vmem_shared>>
      %dma_start3A_127 = arith.constant 0 : i32
      %dma_start3A_128 = arith.constant 0 : i32
      %dma_start3A_129 = tpu.memref_slice %arg7[%run_scoped3A_36, %dma_start3A_127, %dma_start3A_128] : memref<5x80x32xf32, #tpu.memory_space<vmem>> -> memref<1x80x32xf32, #tpu.memory_space<vmem>>
      %dma_start3A_130 = tpu.memref_squeeze %dma_start3A_129 : memref<1x80x32xf32, #tpu.memory_space<vmem>> -> memref<80x32xf32, #tpu.memory_space<vmem>>
      tpu.enqueue_dma source(%dma_start3A_130 : memref<80x32xf32, #tpu.memory_space<vmem>>) target(%dma_start3A_126 : memref<80x32xf32, #tpu.memory_space<vmem_shared>>) target_semaphore(%run_scoped3A_118 : memref<!tpu.dma_semaphore, #tpu.memory_space<semaphore_mem>>)
      %dma_wait3A_131 = arith.constant 0 : i32
      %dma_wait3A_132 = arith.constant 0 : i32
      %dma_wait3A_133 = tpu.memref_slice %arg7[%run_scoped3A_36, %dma_wait3A_131, %dma_wait3A_132] : memref<5x80x32xf32, #tpu.memory_space<vmem>> -> memref<1x80x32xf32, #tpu.memory_space<vmem>>
      %dma_wait3A_134 = tpu.memref_squeeze %dma_wait3A_133 : memref<1x80x32xf32, #tpu.memory_space<vmem>> -> memref<80x32xf32, #tpu.memory_space<vmem>>
      %dma_wait3A_135 = arith.constant 0 : i32
      %dma_wait3A_136 = tpu.memref_slice %arg9[%add3A_35, %dma_wait3A_135] : memref<10000x32xf32, #tpu.memory_space<vmem_shared>> -> memref<80x32xf32, #tpu.memory_space<vmem_shared>>
      %dma_wait3A_137 = arith.constant 0 : i32
      %dma_wait3A_138 = tpu.memref_slice %arg9[%add3A_35, %dma_wait3A_137] : memref<10000x32xf32, #tpu.memory_space<vmem_shared>> -> memref<80x32xf32, #tpu.memory_space<vmem_shared>>
      %dma_wait3A_139 = arith.constant 0 : i32
      %dma_wait3A_140 = arith.constant 0 : i32
      %dma_wait3A_141 = tpu.memref_slice %arg7[%run_scoped3A_36, %dma_wait3A_139, %dma_wait3A_140] : memref<5x80x32xf32, #tpu.memory_space<vmem>> -> memref<1x80x32xf32, #tpu.memory_space<vmem>>
      %dma_wait3A_142 = tpu.memref_squeeze %dma_wait3A_141 : memref<1x80x32xf32, #tpu.memory_space<vmem>> -> memref<80x32xf32, #tpu.memory_space<vmem>>
      tpu.wait_dma2 semaphore(%run_scoped3A_118 : memref<!tpu.dma_semaphore, #tpu.memory_space<semaphore_mem>>) src(%dma_wait3A_142 : memref<80x32xf32, #tpu.memory_space<vmem>>) dst(%dma_wait3A_138 : memref<80x32xf32, #tpu.memory_space<vmem_shared>>)
      tpu.yield
    }) : () -> ()
    %add3A_37 = arith.constant 560 : i32
    %add3A_38 = arith.addi %mul3A_9, %add3A_37 : i32
    %run_scoped3A_39 = arith.constant 0 : i32
    "tpu.region"() ({
      %run_scoped3A_118 = tpu.sem_alloc : memref<!tpu.dma_semaphore, #tpu.memory_space<semaphore_mem>>
      %dma_start3A_119 = arith.constant 0 : i32
      %dma_start3A_120 = arith.constant 0 : i32
      %dma_start3A_121 = tpu.memref_slice %arg7[%run_scoped3A_39, %dma_start3A_119, %dma_start3A_120] : memref<5x80x32xf32, #tpu.memory_space<vmem>> -> memref<1x65x32xf32, #tpu.memory_space<vmem>>
      %dma_start3A_122 = tpu.memref_squeeze %dma_start3A_121 : memref<1x65x32xf32, #tpu.memory_space<vmem>> -> memref<65x32xf32, #tpu.memory_space<vmem>>
      %dma_start3A_123 = arith.constant 0 : i32
      %dma_start3A_124 = tpu.memref_slice %arg9[%add3A_38, %dma_start3A_123] : memref<10000x32xf32, #tpu.memory_space<vmem_shared>> -> memref<65x32xf32, #tpu.memory_space<vmem_shared>>
      %dma_start3A_125 = arith.constant 0 : i32
      %dma_start3A_126 = tpu.memref_slice %arg9[%add3A_38, %dma_start3A_125] : memref<10000x32xf32, #tpu.memory_space<vmem_shared>> -> memref<65x32xf32, #tpu.memory_space<vmem_shared>>
      %dma_start3A_127 = arith.constant 0 : i32
      %dma_start3A_128 = arith.constant 0 : i32
      %dma_start3A_129 = tpu.memref_slice %arg7[%run_scoped3A_39, %dma_start3A_127, %dma_start3A_128] : memref<5x80x32xf32, #tpu.memory_space<vmem>> -> memref<1x65x32xf32, #tpu.memory_space<vmem>>
      %dma_start3A_130 = tpu.memref_squeeze %dma_start3A_129 : memref<1x65x32xf32, #tpu.memory_space<vmem>> -> memref<65x32xf32, #tpu.memory_space<vmem>>
      tpu.enqueue_dma source(%dma_start3A_130 : memref<65x32xf32, #tpu.memory_space<vmem>>) target(%dma_start3A_126 : memref<65x32xf32, #tpu.memory_space<vmem_shared>>) target_semaphore(%run_scoped3A_118 : memref<!tpu.dma_semaphore, #tpu.memory_space<semaphore_mem>>)
      %dma_wait3A_131 = arith.constant 0 : i32
      %dma_wait3A_132 = arith.constant 0 : i32
      %dma_wait3A_133 = tpu.memref_slice %arg7[%run_scoped3A_39, %dma_wait3A_131, %dma_wait3A_132] : memref<5x80x32xf32, #tpu.memory_space<vmem>> -> memref<1x65x32xf32, #tpu.memory_space<vmem>>
      %dma_wait3A_134 = tpu.memref_squeeze %dma_wait3A_133 : memref<1x65x32xf32, #tpu.memory_space<vmem>> -> memref<65x32xf32, #tpu.memory_space<vmem>>
      %dma_wait3A_135 = arith.constant 0 : i32
      %dma_wait3A_136 = tpu.memref_slice %arg9[%add3A_38, %dma_wait3A_135] : memref<10000x32xf32, #tpu.memory_space<vmem_shared>> -> memref<65x32xf32, #tpu.memory_space<vmem_shared>>
      %dma_wait3A_137 = arith.constant 0 : i32
      %dma_wait3A_138 = tpu.memref_slice %arg9[%add3A_38, %dma_wait3A_137] : memref<10000x32xf32, #tpu.memory_space<vmem_shared>> -> memref<65x32xf32, #tpu.memory_space<vmem_shared>>
      %dma_wait3A_139 = arith.constant 0 : i32
      %dma_wait3A_140 = arith.constant 0 : i32
      %dma_wait3A_141 = tpu.memref_slice %arg7[%run_scoped3A_39, %dma_wait3A_139, %dma_wait3A_140] : memref<5x80x32xf32, #tpu.memory_space<vmem>> -> memref<1x65x32xf32, #tpu.memory_space<vmem>>
      %dma_wait3A_142 = tpu.memref_squeeze %dma_wait3A_141 : memref<1x65x32xf32, #tpu.memory_space<vmem>> -> memref<65x32xf32, #tpu.memory_space<vmem>>
      tpu.wait_dma2 semaphore(%run_scoped3A_118 : memref<!tpu.dma_semaphore, #tpu.memory_space<semaphore_mem>>) src(%dma_wait3A_142 : memref<65x32xf32, #tpu.memory_space<vmem>>) dst(%dma_wait3A_138 : memref<65x32xf32, #tpu.memory_space<vmem_shared>>)
      tpu.yield
    }) : () -> ()
    %scan3A_40 = arith.constant 0 : i32
    %scan3A_41 = arith.constant 0 : i32
    %scan3A_42 = arith.constant 125 : i32
    %scan3A_43 = arith.addi %scan3A_41, %scan3A_42 : i32
    %scan3A_44 = arith.constant 1 : i32
    scf.for %scan3A_118 = %scan3A_41 to %scan3A_43 step %scan3A_44  : i32 {
      %mul3A_119 = arith.constant 80 : i32
      %mul3A_120 = arith.muli %scan3A_118, %mul3A_119 : i32
      %add3A_121 = arith.addi %mul3A_2, %mul3A_120 : i32
      %dma_wait3A_122 = arith.constant 1 : i32
      %dma_wait3A_123 = arith.constant 0 : i32
      %dma_wait3A_124 = tpu.memref_slice %arg6[%scan3A_118, %dma_wait3A_123] : memref<125x80xi32, #tpu.memory_space<vmem>> -> memref<1x80xi32, #tpu.memory_space<vmem>>
      %dma_wait3A_125 = tpu.memref_squeeze %dma_wait3A_124 : memref<1x80xi32, #tpu.memory_space<vmem>> -> memref<80xi32, #tpu.memory_space<vmem>>
      %dma_wait3A_126 = tpu.memref_slice %arg3[%dma_wait3A_122, %add3A_121] : memref<2x320000xi32, #tpu.memory_space<hbm>> -> memref<1x80xi32, #tpu.memory_space<hbm>>
      %dma_wait3A_127 = tpu.memref_squeeze %dma_wait3A_126 : memref<1x80xi32, #tpu.memory_space<hbm>> -> memref<80xi32, #tpu.memory_space<hbm>>
      %dma_wait3A_128 = arith.constant 0 : i32
      %dma_wait3A_129 = tpu.memref_slice %arg6[%scan3A_118, %dma_wait3A_128] : memref<125x80xi32, #tpu.memory_space<vmem>> -> memref<1x80xi32, #tpu.memory_space<vmem>>
      %dma_wait3A_130 = tpu.memref_squeeze %dma_wait3A_129 : memref<1x80xi32, #tpu.memory_space<vmem>> -> memref<80xi32, #tpu.memory_space<vmem>>
      %dma_wait3A_131 = tpu.memref_slice %arg3[%dma_wait3A_122, %add3A_121] : memref<2x320000xi32, #tpu.memory_space<hbm>> -> memref<1x80xi32, #tpu.memory_space<hbm>>
      %dma_wait3A_132 = tpu.memref_squeeze %dma_wait3A_131 : memref<1x80xi32, #tpu.memory_space<hbm>> -> memref<80xi32, #tpu.memory_space<hbm>>
      tpu.wait_dma2 semaphore(%arg12 : memref<!tpu.dma_semaphore, #tpu.memory_space<semaphore_mem>>) src(%dma_wait3A_132 : memref<80xi32, #tpu.memory_space<hbm>>) dst(%dma_wait3A_130 : memref<80xi32, #tpu.memory_space<vmem>>)
    }
    %scan3A_45 = arith.constant 125 : i32
    %barrier3A = arith.constant 0 : index
    tpu.barrier barrier_id(%barrier3A)
    %dma_start3A = arith.constant 0 : i32
    %dma_start3A_46 = arith.constant 0 : i32
    %dma_start3A_47 = arith.constant 0 : i32
    %dma_start3A_48 = arith.constant 0 : i32
    %dma_start3A_49 = tpu.memref_slice %arg7[%dma_start3A, %dma_start3A_47, %dma_start3A_48] : memref<5x80x32xf32, #tpu.memory_space<vmem>> -> memref<1x80x32xf32, #tpu.memory_space<vmem>>
    %dma_start3A_50 = tpu.memref_squeeze %dma_start3A_49 : memref<1x80x32xf32, #tpu.memory_space<vmem>> -> memref<80x32xf32, #tpu.memory_space<vmem>>
    %dma_start3A_51 = arith.constant 0 : i32
    %dma_start3A_52 = tpu.memref_slice %arg5[%dma_start3A_51] : memref<10000xi32, #tpu.memory_space<vmem>> -> memref<80xi32, #tpu.memory_space<vmem>>
    %dma_start3A_53 = arith.constant 0 : i32
    %dma_start3A_54 = arith.constant 0 : i32
    %dma_start3A_55 = tpu.memref_slice %arg8[%dma_start3A_53, %dma_start3A_54] : memref<10000x32xf32, #tpu.memory_space<vmem_shared>> -> memref<10000x32xf32, #tpu.memory_space<vmem_shared>>
    %dma_start3A_56 = tpu.memref_slice %arg10[%dma_start3A_46] : memref<5x!tpu.dma_semaphore, #tpu.memory_space<semaphore_mem>> -> memref<1x!tpu.dma_semaphore, #tpu.memory_space<semaphore_mem>>
    %dma_start3A_57 = tpu.memref_squeeze %dma_start3A_56 : memref<1x!tpu.dma_semaphore, #tpu.memory_space<semaphore_mem>> -> memref<!tpu.dma_semaphore, #tpu.memory_space<semaphore_mem>>
    tpu.enqueue_indirect_dma source(%dma_start3A_55 : memref<10000x32xf32, #tpu.memory_space<vmem_shared>>) target(%dma_start3A_50 : memref<80x32xf32, #tpu.memory_space<vmem>>) offsets(%dma_start3A_52 : memref<80xi32, #tpu.memory_space<vmem>>) semaphore(%dma_start3A_57 : memref<!tpu.dma_semaphore, #tpu.memory_space<semaphore_mem>>)
    %dma_start3A_58 = arith.constant 1 : i32
    %dma_start3A_59 = arith.constant 1 : i32
    %dma_start3A_60 = arith.constant 0 : i32
    %dma_start3A_61 = arith.constant 0 : i32
    %dma_start3A_62 = tpu.memref_slice %arg7[%dma_start3A_58, %dma_start3A_60, %dma_start3A_61] : memref<5x80x32xf32, #tpu.memory_space<vmem>> -> memref<1x80x32xf32, #tpu.memory_space<vmem>>
    %dma_start3A_63 = tpu.memref_squeeze %dma_start3A_62 : memref<1x80x32xf32, #tpu.memory_space<vmem>> -> memref<80x32xf32, #tpu.memory_space<vmem>>
    %dma_start3A_64 = arith.constant 80 : i32
    %dma_start3A_65 = tpu.memref_slice %arg5[%dma_start3A_64] : memref<10000xi32, #tpu.memory_space<vmem>> -> memref<80xi32, #tpu.memory_space<vmem>>
    %dma_start3A_66 = arith.constant 0 : i32
    %dma_start3A_67 = arith.constant 0 : i32
    %dma_start3A_68 = tpu.memref_slice %arg8[%dma_start3A_66, %dma_start3A_67] : memref<10000x32xf32, #tpu.memory_space<vmem_shared>> -> memref<10000x32xf32, #tpu.memory_space<vmem_shared>>
    %dma_start3A_69 = tpu.memref_slice %arg10[%dma_start3A_59] : memref<5x!tpu.dma_semaphore, #tpu.memory_space<semaphore_mem>> -> memref<1x!tpu.dma_semaphore, #tpu.memory_space<semaphore_mem>>
    %dma_start3A_70 = tpu.memref_squeeze %dma_start3A_69 : memref<1x!tpu.dma_semaphore, #tpu.memory_space<semaphore_mem>> -> memref<!tpu.dma_semaphore, #tpu.memory_space<semaphore_mem>>
    tpu.enqueue_indirect_dma source(%dma_start3A_68 : memref<10000x32xf32, #tpu.memory_space<vmem_shared>>) target(%dma_start3A_63 : memref<80x32xf32, #tpu.memory_space<vmem>>) offsets(%dma_start3A_65 : memref<80xi32, #tpu.memory_space<vmem>>) semaphore(%dma_start3A_70 : memref<!tpu.dma_semaphore, #tpu.memory_space<semaphore_mem>>)
    %dma_start3A_71 = arith.constant 2 : i32
    %dma_start3A_72 = arith.constant 2 : i32
    %dma_start3A_73 = arith.constant 0 : i32
    %dma_start3A_74 = arith.constant 0 : i32
    %dma_start3A_75 = tpu.memref_slice %arg7[%dma_start3A_71, %dma_start3A_73, %dma_start3A_74] : memref<5x80x32xf32, #tpu.memory_space<vmem>> -> memref<1x80x32xf32, #tpu.memory_space<vmem>>
    %dma_start3A_76 = tpu.memref_squeeze %dma_start3A_75 : memref<1x80x32xf32, #tpu.memory_space<vmem>> -> memref<80x32xf32, #tpu.memory_space<vmem>>
    %dma_start3A_77 = arith.constant 160 : i32
    %dma_start3A_78 = tpu.memref_slice %arg5[%dma_start3A_77] : memref<10000xi32, #tpu.memory_space<vmem>> -> memref<80xi32, #tpu.memory_space<vmem>>
    %dma_start3A_79 = arith.constant 0 : i32
    %dma_start3A_80 = arith.constant 0 : i32
    %dma_start3A_81 = tpu.memref_slice %arg8[%dma_start3A_79, %dma_start3A_80] : memref<10000x32xf32, #tpu.memory_space<vmem_shared>> -> memref<10000x32xf32, #tpu.memory_space<vmem_shared>>
    %dma_start3A_82 = tpu.memref_slice %arg10[%dma_start3A_72] : memref<5x!tpu.dma_semaphore, #tpu.memory_space<semaphore_mem>> -> memref<1x!tpu.dma_semaphore, #tpu.memory_space<semaphore_mem>>
    %dma_start3A_83 = tpu.memref_squeeze %dma_start3A_82 : memref<1x!tpu.dma_semaphore, #tpu.memory_space<semaphore_mem>> -> memref<!tpu.dma_semaphore, #tpu.memory_space<semaphore_mem>>
    tpu.enqueue_indirect_dma source(%dma_start3A_81 : memref<10000x32xf32, #tpu.memory_space<vmem_shared>>) target(%dma_start3A_76 : memref<80x32xf32, #tpu.memory_space<vmem>>) offsets(%dma_start3A_78 : memref<80xi32, #tpu.memory_space<vmem>>) semaphore(%dma_start3A_83 : memref<!tpu.dma_semaphore, #tpu.memory_space<semaphore_mem>>)
    %dma_start3A_84 = arith.constant 3 : i32
    %dma_start3A_85 = arith.constant 3 : i32
    %dma_start3A_86 = arith.constant 0 : i32
    %dma_start3A_87 = arith.constant 0 : i32
    %dma_start3A_88 = tpu.memref_slice %arg7[%dma_start3A_84, %dma_start3A_86, %dma_start3A_87] : memref<5x80x32xf32, #tpu.memory_space<vmem>> -> memref<1x80x32xf32, #tpu.memory_space<vmem>>
    %dma_start3A_89 = tpu.memref_squeeze %dma_start3A_88 : memref<1x80x32xf32, #tpu.memory_space<vmem>> -> memref<80x32xf32, #tpu.memory_space<vmem>>
    %dma_start3A_90 = arith.constant 240 : i32
    %dma_start3A_91 = tpu.memref_slice %arg5[%dma_start3A_90] : memref<10000xi32, #tpu.memory_space<vmem>> -> memref<80xi32, #tpu.memory_space<vmem>>
    %dma_start3A_92 = arith.constant 0 : i32
    %dma_start3A_93 = arith.constant 0 : i32
    %dma_start3A_94 = tpu.memref_slice %arg8[%dma_start3A_92, %dma_start3A_93] : memref<10000x32xf32, #tpu.memory_space<vmem_shared>> -> memref<10000x32xf32, #tpu.memory_space<vmem_shared>>
    %dma_start3A_95 = tpu.memref_slice %arg10[%dma_start3A_85] : memref<5x!tpu.dma_semaphore, #tpu.memory_space<semaphore_mem>> -> memref<1x!tpu.dma_semaphore, #tpu.memory_space<semaphore_mem>>
    %dma_start3A_96 = tpu.memref_squeeze %dma_start3A_95 : memref<1x!tpu.dma_semaphore, #tpu.memory_space<semaphore_mem>> -> memref<!tpu.dma_semaphore, #tpu.memory_space<semaphore_mem>>
    tpu.enqueue_indirect_dma source(%dma_start3A_94 : memref<10000x32xf32, #tpu.memory_space<vmem_shared>>) target(%dma_start3A_89 : memref<80x32xf32, #tpu.memory_space<vmem>>) offsets(%dma_start3A_91 : memref<80xi32, #tpu.memory_space<vmem>>) semaphore(%dma_start3A_96 : memref<!tpu.dma_semaphore, #tpu.memory_space<semaphore_mem>>)
    %scan3A_97 = arith.constant 0 : i32
    %scan3A_98 = arith.constant 0 : i32
    %scan3A_99 = arith.constant 125 : i32
    %scan3A_100 = arith.addi %scan3A_98, %scan3A_99 : i32
    %scan3A_101 = arith.constant 1 : i32
    scf.for %scan3A_118 = %scan3A_98 to %scan3A_100 step %scan3A_101  : i32 {
      %rem3A = arith.constant 5 : i32
      %rem3A_119 = arith.remsi %scan3A_118, %rem3A : i32
      %add3A_120 = arith.constant 5 : i32
      %add3A_121 = arith.addi %scan3A_118, %add3A_120 : i32
      %sub3A = arith.constant 1 : i32
      %sub3A_122 = arith.subi %add3A_121, %sub3A : i32
      %rem3A_123 = arith.constant 5 : i32
      %rem3A_124 = arith.remsi %sub3A_122, %rem3A_123 : i32
      %ge3A = arith.constant 1 : i32
      %ge3A_125 = arith.cmpi sge, %scan3A_118, %ge3A : i32
      %convert_element_type3A = arith.extui %ge3A_125 : i1 to i32
      %cond3A = arith.constant 0 : i32
      %cond3A_126 = arith.cmpi ne, %convert_element_type3A, %cond3A : i32
      scf.if %cond3A_126 {
        %sub3A_159 = arith.constant 1 : i32
        %sub3A_160 = arith.subi %scan3A_118, %sub3A_159 : i32
        %dma_wait3A_161 = arith.constant 0 : i32
        %dma_wait3A_162 = arith.constant 0 : i32
        %dma_wait3A_163 = tpu.memref_slice %arg7[%rem3A_124, %dma_wait3A_161, %dma_wait3A_162] : memref<5x80x32xf32, #tpu.memory_space<vmem>> -> memref<1x80x32xf32, #tpu.memory_space<vmem>>
        %dma_wait3A_164 = tpu.memref_squeeze %dma_wait3A_163 : memref<1x80x32xf32, #tpu.memory_space<vmem>> -> memref<80x32xf32, #tpu.memory_space<vmem>>
        %dma_wait3A_165 = arith.constant 0 : i32
        %dma_wait3A_166 = tpu.memref_slice %arg6[%sub3A_160, %dma_wait3A_165] : memref<125x80xi32, #tpu.memory_space<vmem>> -> memref<1x80xi32, #tpu.memory_space<vmem>>
        %dma_wait3A_167 = tpu.memref_squeeze %dma_wait3A_166 : memref<1x80xi32, #tpu.memory_space<vmem>> -> memref<80xi32, #tpu.memory_space<vmem>>
        %dma_wait3A_168 = arith.constant 0 : i32
        %dma_wait3A_169 = arith.constant 0 : i32
        %dma_wait3A_170 = tpu.memref_slice %arg9[%dma_wait3A_168, %dma_wait3A_169] : memref<10000x32xf32, #tpu.memory_space<vmem_shared>> -> memref<10000x32xf32, #tpu.memory_space<vmem_shared>>
        %dma_wait3A_171 = tpu.memref_slice %arg11[%rem3A_124] : memref<5x!tpu.dma_semaphore, #tpu.memory_space<semaphore_mem>> -> memref<1x!tpu.dma_semaphore, #tpu.memory_space<semaphore_mem>>
        %dma_wait3A_172 = tpu.memref_squeeze %dma_wait3A_171 : memref<1x!tpu.dma_semaphore, #tpu.memory_space<semaphore_mem>> -> memref<!tpu.dma_semaphore, #tpu.memory_space<semaphore_mem>>
        tpu.wait_indirect_dma semaphore(%dma_wait3A_172 : memref<!tpu.dma_semaphore, #tpu.memory_space<semaphore_mem>>) src(%dma_wait3A_164 : memref<80x32xf32, #tpu.memory_space<vmem>>) dst(%dma_wait3A_170 : memref<10000x32xf32, #tpu.memory_space<vmem_shared>>)
      } else {
      }
      %add3A_127 = arith.constant 5 : i32
      %add3A_128 = arith.addi %scan3A_118, %add3A_127 : i32
      %sub3A_129 = arith.constant 1 : i32
      %sub3A_130 = arith.subi %add3A_128, %sub3A_129 : i32
      %lt3A = arith.constant 125 : i32
      %lt3A_131 = arith.cmpi slt, %sub3A_130, %lt3A : i32
      %convert_element_type3A_132 = arith.extui %lt3A_131 : i1 to i32
      %cond3A_133 = arith.constant 0 : i32
      %cond3A_134 = arith.cmpi ne, %convert_element_type3A_132, %cond3A_133 : i32
      scf.if %cond3A_134 {
        %add3A_159 = arith.constant 5 : i32
        %add3A_160 = arith.addi %scan3A_118, %add3A_159 : i32
        %sub3A_161 = arith.constant 1 : i32
        %sub3A_162 = arith.subi %add3A_160, %sub3A_161 : i32
        %mul3A_163 = arith.constant 80 : i32
        %mul3A_164 = arith.muli %sub3A_162, %mul3A_163 : i32
        %dma_start3A_165 = arith.constant 0 : i32
        %dma_start3A_166 = arith.constant 0 : i32
        %dma_start3A_167 = tpu.memref_slice %arg7[%rem3A_124, %dma_start3A_165, %dma_start3A_166] : memref<5x80x32xf32, #tpu.memory_space<vmem>> -> memref<1x80x32xf32, #tpu.memory_space<vmem>>
        %dma_start3A_168 = tpu.memref_squeeze %dma_start3A_167 : memref<1x80x32xf32, #tpu.memory_space<vmem>> -> memref<80x32xf32, #tpu.memory_space<vmem>>
        %dma_start3A_169 = tpu.memref_slice %arg5[%mul3A_164] : memref<10000xi32, #tpu.memory_space<vmem>> -> memref<80xi32, #tpu.memory_space<vmem>>
        %dma_start3A_170 = arith.constant 0 : i32
        %dma_start3A_171 = arith.constant 0 : i32
        %dma_start3A_172 = tpu.memref_slice %arg8[%dma_start3A_170, %dma_start3A_171] : memref<10000x32xf32, #tpu.memory_space<vmem_shared>> -> memref<10000x32xf32, #tpu.memory_space<vmem_shared>>
        %dma_start3A_173 = tpu.memref_slice %arg10[%rem3A_124] : memref<5x!tpu.dma_semaphore, #tpu.memory_space<semaphore_mem>> -> memref<1x!tpu.dma_semaphore, #tpu.memory_space<semaphore_mem>>
        %dma_start3A_174 = tpu.memref_squeeze %dma_start3A_173 : memref<1x!tpu.dma_semaphore, #tpu.memory_space<semaphore_mem>> -> memref<!tpu.dma_semaphore, #tpu.memory_space<semaphore_mem>>
        tpu.enqueue_indirect_dma source(%dma_start3A_172 : memref<10000x32xf32, #tpu.memory_space<vmem_shared>>) target(%dma_start3A_168 : memref<80x32xf32, #tpu.memory_space<vmem>>) offsets(%dma_start3A_169 : memref<80xi32, #tpu.memory_space<vmem>>) semaphore(%dma_start3A_174 : memref<!tpu.dma_semaphore, #tpu.memory_space<semaphore_mem>>)
      } else {
      }
      %mul3A_135 = arith.constant 80 : i32
      %mul3A_136 = arith.muli %scan3A_118, %mul3A_135 : i32
      %dma_wait3A_137 = arith.constant 0 : i32
      %dma_wait3A_138 = arith.constant 0 : i32
      %dma_wait3A_139 = tpu.memref_slice %arg7[%rem3A_119, %dma_wait3A_137, %dma_wait3A_138] : memref<5x80x32xf32, #tpu.memory_space<vmem>> -> memref<1x80x32xf32, #tpu.memory_space<vmem>>
      %dma_wait3A_140 = tpu.memref_squeeze %dma_wait3A_139 : memref<1x80x32xf32, #tpu.memory_space<vmem>> -> memref<80x32xf32, #tpu.memory_space<vmem>>
      %dma_wait3A_141 = tpu.memref_slice %arg5[%mul3A_136] : memref<10000xi32, #tpu.memory_space<vmem>> -> memref<80xi32, #tpu.memory_space<vmem>>
      %dma_wait3A_142 = arith.constant 0 : i32
      %dma_wait3A_143 = arith.constant 0 : i32
      %dma_wait3A_144 = tpu.memref_slice %arg8[%dma_wait3A_142, %dma_wait3A_143] : memref<10000x32xf32, #tpu.memory_space<vmem_shared>> -> memref<10000x32xf32, #tpu.memory_space<vmem_shared>>
      %dma_wait3A_145 = tpu.memref_slice %arg10[%rem3A_119] : memref<5x!tpu.dma_semaphore, #tpu.memory_space<semaphore_mem>> -> memref<1x!tpu.dma_semaphore, #tpu.memory_space<semaphore_mem>>
      %dma_wait3A_146 = tpu.memref_squeeze %dma_wait3A_145 : memref<1x!tpu.dma_semaphore, #tpu.memory_space<semaphore_mem>> -> memref<!tpu.dma_semaphore, #tpu.memory_space<semaphore_mem>>
      tpu.wait_indirect_dma semaphore(%dma_wait3A_146 : memref<!tpu.dma_semaphore, #tpu.memory_space<semaphore_mem>>) src(%dma_wait3A_144 : memref<10000x32xf32, #tpu.memory_space<vmem_shared>>) dst(%dma_wait3A_140 : memref<80x32xf32, #tpu.memory_space<vmem>>)
      %dma_start3A_147 = arith.constant 0 : i32
      %dma_start3A_148 = arith.constant 0 : i32
      %dma_start3A_149 = tpu.memref_slice %arg7[%rem3A_119, %dma_start3A_147, %dma_start3A_148] : memref<5x80x32xf32, #tpu.memory_space<vmem>> -> memref<1x80x32xf32, #tpu.memory_space<vmem>>
      %dma_start3A_150 = tpu.memref_squeeze %dma_start3A_149 : memref<1x80x32xf32, #tpu.memory_space<vmem>> -> memref<80x32xf32, #tpu.memory_space<vmem>>
      %dma_start3A_151 = arith.constant 0 : i32
      %dma_start3A_152 = tpu.memref_slice %arg6[%scan3A_118, %dma_start3A_151] : memref<125x80xi32, #tpu.memory_space<vmem>> -> memref<1x80xi32, #tpu.memory_space<vmem>>
      %dma_start3A_153 = tpu.memref_squeeze %dma_start3A_152 : memref<1x80xi32, #tpu.memory_space<vmem>> -> memref<80xi32, #tpu.memory_space<vmem>>
      %dma_start3A_154 = arith.constant 0 : i32
      %dma_start3A_155 = arith.constant 0 : i32
      %dma_start3A_156 = tpu.memref_slice %arg9[%dma_start3A_154, %dma_start3A_155] : memref<10000x32xf32, #tpu.memory_space<vmem_shared>> -> memref<10000x32xf32, #tpu.memory_space<vmem_shared>>
      %dma_start3A_157 = tpu.memref_slice %arg11[%rem3A_119] : memref<5x!tpu.dma_semaphore, #tpu.memory_space<semaphore_mem>> -> memref<1x!tpu.dma_semaphore, #tpu.memory_space<semaphore_mem>>
      %dma_start3A_158 = tpu.memref_squeeze %dma_start3A_157 : memref<1x!tpu.dma_semaphore, #tpu.memory_space<semaphore_mem>> -> memref<!tpu.dma_semaphore, #tpu.memory_space<semaphore_mem>>
      tpu.enqueue_indirect_dma source(%dma_start3A_150 : memref<80x32xf32, #tpu.memory_space<vmem>>) target(%dma_start3A_156 : memref<10000x32xf32, #tpu.memory_space<vmem_shared>>) offsets(%dma_start3A_153 : memref<80xi32, #tpu.memory_space<vmem>>) semaphore(%dma_start3A_158 : memref<!tpu.dma_semaphore, #tpu.memory_space<semaphore_mem>>) {add = true}
    }
    %scan3A_102 = arith.constant 125 : i32
    %dma_wait3A = arith.constant 4 : i32
    %dma_wait3A_103 = arith.constant 124 : i32
    %dma_wait3A_104 = arith.constant 4 : i32
    %dma_wait3A_105 = arith.constant 0 : i32
    %dma_wait3A_106 = arith.constant 0 : i32
    %dma_wait3A_107 = tpu.memref_slice %arg7[%dma_wait3A, %dma_wait3A_105, %dma_wait3A_106] : memref<5x80x32xf32, #tpu.memory_space<vmem>> -> memref<1x80x32xf32, #tpu.memory_space<vmem>>
    %dma_wait3A_108 = tpu.memref_squeeze %dma_wait3A_107 : memref<1x80x32xf32, #tpu.memory_space<vmem>> -> memref<80x32xf32, #tpu.memory_space<vmem>>
    %dma_wait3A_109 = arith.constant 0 : i32
    %dma_wait3A_110 = tpu.memref_slice %arg6[%dma_wait3A_103, %dma_wait3A_109] : memref<125x80xi32, #tpu.memory_space<vmem>> -> memref<1x80xi32, #tpu.memory_space<vmem>>
    %dma_wait3A_111 = tpu.memref_squeeze %dma_wait3A_110 : memref<1x80xi32, #tpu.memory_space<vmem>> -> memref<80xi32, #tpu.memory_space<vmem>>
    %dma_wait3A_112 = arith.constant 0 : i32
    %dma_wait3A_113 = arith.constant 0 : i32
    %dma_wait3A_114 = tpu.memref_slice %arg9[%dma_wait3A_112, %dma_wait3A_113] : memref<10000x32xf32, #tpu.memory_space<vmem_shared>> -> memref<10000x32xf32, #tpu.memory_space<vmem_shared>>
    %dma_wait3A_115 = tpu.memref_slice %arg11[%dma_wait3A_104] : memref<5x!tpu.dma_semaphore, #tpu.memory_space<semaphore_mem>> -> memref<1x!tpu.dma_semaphore, #tpu.memory_space<semaphore_mem>>
    %dma_wait3A_116 = tpu.memref_squeeze %dma_wait3A_115 : memref<1x!tpu.dma_semaphore, #tpu.memory_space<semaphore_mem>> -> memref<!tpu.dma_semaphore, #tpu.memory_space<semaphore_mem>>
    tpu.wait_indirect_dma semaphore(%dma_wait3A_116 : memref<!tpu.dma_semaphore, #tpu.memory_space<semaphore_mem>>) src(%dma_wait3A_108 : memref<80x32xf32, #tpu.memory_space<vmem>>) dst(%dma_wait3A_114 : memref<10000x32xf32, #tpu.memory_space<vmem_shared>>)
    %barrier3A_117 = arith.constant 0 : index
    tpu.barrier barrier_id(%barrier3A_117)
    "tpu.region"() ({
      %run_scoped3A_118 = tpu.sem_alloc : memref<!tpu.dma_semaphore, #tpu.memory_space<semaphore_mem>>
      %dma_start3A_119 = arith.constant 0 : i32
      %dma_start3A_120 = tpu.memref_slice %arg4[%arg0, %mul3A_9, %dma_start3A_119] : memref<2x10000x128xf32, #tpu.memory_space<hbm>> -> memref<1x625x32xf32, #tpu.memory_space<hbm>>
      %dma_start3A_121 = tpu.memref_squeeze %dma_start3A_120 : memref<1x625x32xf32, #tpu.memory_space<hbm>> -> memref<625x32xf32, #tpu.memory_space<hbm>>
      %dma_start3A_122 = arith.constant 0 : i32
      %dma_start3A_123 = tpu.memref_slice %arg9[%mul3A_9, %dma_start3A_122] : memref<10000x32xf32, #tpu.memory_space<vmem_shared>> -> memref<625x32xf32, #tpu.memory_space<vmem_shared>>
      tpu.enqueue_dma source(%dma_start3A_123 : memref<625x32xf32, #tpu.memory_space<vmem_shared>>) target(%dma_start3A_121 : memref<625x32xf32, #tpu.memory_space<hbm>>) target_semaphore(%run_scoped3A_118 : memref<!tpu.dma_semaphore, #tpu.memory_space<semaphore_mem>>)
      %dma_wait3A_124 = arith.constant 0 : i32
      %dma_wait3A_125 = tpu.memref_slice %arg4[%arg0, %mul3A_9, %dma_wait3A_124] : memref<2x10000x128xf32, #tpu.memory_space<hbm>> -> memref<1x625x32xf32, #tpu.memory_space<hbm>>
      %dma_wait3A_126 = tpu.memref_squeeze %dma_wait3A_125 : memref<1x625x32xf32, #tpu.memory_space<hbm>> -> memref<625x32xf32, #tpu.memory_space<hbm>>
      %dma_wait3A_127 = arith.constant 0 : i32
      %dma_wait3A_128 = tpu.memref_slice %arg9[%mul3A_9, %dma_wait3A_127] : memref<10000x32xf32, #tpu.memory_space<vmem_shared>> -> memref<625x32xf32, #tpu.memory_space<vmem_shared>>
      tpu.wait_dma2 semaphore(%run_scoped3A_118 : memref<!tpu.dma_semaphore, #tpu.memory_space<semaphore_mem>>) src(%dma_wait3A_128 : memref<625x32xf32, #tpu.memory_space<vmem_shared>>) dst(%dma_wait3A_126 : memref<625x32xf32, #tpu.memory_space<hbm>>)
      tpu.yield
    }) : () -> ()
    return
  }
}

module attributes {stable_mosaic.version = 14 : i64} {
  func.func @_proj1_body(%arg0: i32, %arg1: memref<5000x128xf32, #tpu.memory_space<vmem>>, %arg2: memref<128x64xf32, #tpu.memory_space<vmem>>, %arg3: memref<128x64xf32, #tpu.memory_space<vmem>>, %arg4: memref<64xf32, #tpu.memory_space<vmem>>, %arg5: memref<5000x80xf32, #tpu.memory_space<vmem>>, %arg6: memref<5000x64xf32, #tpu.memory_space<vmem>>) attributes {dimension_semantics = [#tpu.dimension_semantics<arbitrary>], iteration_bounds = array<i64: 2>, scalar_prefetch = 0 : i64, scratch_operands = 0 : i64, tpu.core_type = #tpu.core_type<tc>, window_params = [{transform_indices = @transform_0, window_bounds = array<i64: 5000, 128>}, {pipeline_mode = #tpu.pipeline_mode<synchronous>, transform_indices = @transform_1, window_bounds = array<i64: 128, 64>}, {pipeline_mode = #tpu.pipeline_mode<synchronous>, transform_indices = @transform_2, window_bounds = array<i64: 128, 64>}, {pipeline_mode = #tpu.pipeline_mode<synchronous>, transform_indices = @transform_3, window_bounds = array<i64: 64>}, {transform_indices = @transform_4, window_bounds = array<i64: 5000, 80>}, {transform_indices = @transform_5, window_bounds = array<i64: 5000, 64>}]} {
    %get3A = arith.constant 0 : index
    %get3A_0 = arith.constant 0 : index
    %get3A_1 = vector.load %arg1[%get3A, %get3A_0] : memref<5000x128xf32, #tpu.memory_space<vmem>>, vector<5000x128xf32>
    %get3A_2 = arith.constant 0 : index
    %get3A_3 = arith.constant 0 : index
    %get3A_4 = vector.load %arg2[%get3A_2, %get3A_3] : memref<128x64xf32, #tpu.memory_space<vmem>>, vector<128x64xf32>
    %dot_general3A = arith.constant dense<0.000000e+00> : vector<5000x64xf32>
    %dot_general3A_5 = tpu.matmul %get3A_1, %get3A_4, %dot_general3A {dimension_numbers = #tpu.dot_dimension_numbers<[1], [0], [0], [1], [0, 0, 1, 1], [], []>, transpose_lhs_hint = false} : vector<5000x128xf32>, vector<128x64xf32>, vector<5000x64xf32> -> vector<5000x64xf32>
    %broadcast_in_dim3A = arith.constant 1.000000e+00 : f32
    %broadcast_in_dim3A_6 = vector.broadcast %broadcast_in_dim3A : f32 to vector<5000x1xf32>
    %broadcast_in_dim3A_7 = arith.constant 0.000000e+00 : f32
    %broadcast_in_dim3A_8 = vector.broadcast %broadcast_in_dim3A_7 : f32 to vector<5000x15xf32>
    %concatenate3A = tpu.concatenate %dot_general3A_5, %broadcast_in_dim3A_6, %broadcast_in_dim3A_8 in 1 : vector<5000x64xf32>, vector<5000x1xf32>, vector<5000x15xf32> -> vector<5000x80xf32>
    %swap3A = arith.constant 0 : index
    %swap3A_9 = arith.constant 0 : index
    %swap3A_10 = vector.load %arg5[%swap3A, %swap3A_9] : memref<5000x80xf32, #tpu.memory_space<vmem>>, vector<5000x80xf32>
    tpu.vector_store %arg5[%swap3A, %swap3A_9], %concatenate3A {strides = array<i32>} : memref<5000x80xf32, #tpu.memory_space<vmem>>, vector<5000x80xf32>,
    %get3A_11 = arith.constant 0 : index
    %get3A_12 = arith.constant 0 : index
    %get3A_13 = vector.load %arg3[%get3A_11, %get3A_12] : memref<128x64xf32, #tpu.memory_space<vmem>>, vector<128x64xf32>
    %dot_general3A_14 = arith.constant dense<0.000000e+00> : vector<5000x64xf32>
    %dot_general3A_15 = tpu.matmul %get3A_1, %get3A_13, %dot_general3A_14 {dimension_numbers = #tpu.dot_dimension_numbers<[1], [0], [0], [1], [0, 0, 1, 1], [], []>, transpose_lhs_hint = false} : vector<5000x128xf32>, vector<128x64xf32>, vector<5000x64xf32> -> vector<5000x64xf32>
    %get3A_16 = arith.constant 0 : index
    %get3A_17 = vector.load %arg4[%get3A_16] : memref<64xf32, #tpu.memory_space<vmem>>, vector<64xf32>
    %broadcast_in_dim3A_18 = vector.shape_cast %get3A_17 : vector<64xf32> to vector<1x64xf32>
    %add3A = vector.broadcast %broadcast_in_dim3A_18 : vector<1x64xf32> to vector<5000x64xf32>
    %add3A_19 = arith.addf %dot_general3A_15, %add3A : vector<5000x64xf32>
    %swap3A_20 = arith.constant 0 : index
    %swap3A_21 = arith.constant 0 : index
    %swap3A_22 = vector.load %arg6[%swap3A_20, %swap3A_21] : memref<5000x64xf32, #tpu.memory_space<vmem>>, vector<5000x64xf32>
    tpu.vector_store %arg6[%swap3A_20, %swap3A_21], %add3A_19 {strides = array<i32>} : memref<5000x64xf32, #tpu.memory_space<vmem>>, vector<5000x64xf32>,
    return
  }
  func.func @transform_0(%arg0: i32) -> (i32, i32) {
    %c0_i32 = arith.constant 0 : i32
    %c0_i32_0 = arith.constant 0 : i32
    return %arg0, %c0_i32 : i32, i32
  }
  func.func @transform_1(%arg0: i32) -> (i32, i32) {
    %c0_i32 = arith.constant 0 : i32
    %c0_i32_0 = arith.constant 0 : i32
    %c0_i32_1 = arith.constant 0 : i32
    return %c0_i32, %c0_i32_0 : i32, i32
  }
  func.func @transform_2(%arg0: i32) -> (i32, i32) {
    %c0_i32 = arith.constant 0 : i32
    %c0_i32_0 = arith.constant 0 : i32
    %c0_i32_1 = arith.constant 0 : i32
    return %c0_i32, %c0_i32_0 : i32, i32
  }
  func.func @transform_3(%arg0: i32) -> i32 {
    %c0_i32 = arith.constant 0 : i32
    %c0_i32_0 = arith.constant 0 : i32
    return %c0_i32 : i32
  }
  func.func @transform_4(%arg0: i32) -> (i32, i32) {
    %c0_i32 = arith.constant 0 : i32
    %c0_i32_0 = arith.constant 0 : i32
    return %arg0, %c0_i32 : i32, i32
  }
  func.func @transform_5(%arg0: i32) -> (i32, i32) {
    %c0_i32 = arith.constant 0 : i32
    %c0_i32_0 = arith.constant 0 : i32
    return %arg0, %c0_i32 : i32, i32
  }
}

module attributes {stable_mosaic.version = 14 : i64} {
  func.func @_mid_body(%arg0: i32, %arg1: memref<2x5000x128xf32, #tpu.memory_space<vmem>>, %arg2: memref<5000x64xf32, #tpu.memory_space<vmem>>, %arg3: memref<64x32xf32, #tpu.memory_space<vmem>>, %arg4: memref<64x32xf32, #tpu.memory_space<vmem>>, %arg5: memref<32xf32, #tpu.memory_space<vmem>>, %arg6: memref<5000x128xf32, #tpu.memory_space<vmem>>, %arg7: memref<5000x32xf32, #tpu.memory_space<vmem>>, %arg8: memref<5000x1xf32, #tpu.memory_space<vmem>>) attributes {dimension_semantics = [#tpu.dimension_semantics<arbitrary>], iteration_bounds = array<i64: 2>, scalar_prefetch = 0 : i64, scratch_operands = 0 : i64, tpu.core_type = #tpu.core_type<tc>, window_params = [{transform_indices = @transform_0, window_bounds = array<i64: 2, 5000, 128>}, {transform_indices = @transform_1, window_bounds = array<i64: 5000, 64>}, {pipeline_mode = #tpu.pipeline_mode<synchronous>, transform_indices = @transform_2, window_bounds = array<i64: 64, 32>}, {pipeline_mode = #tpu.pipeline_mode<synchronous>, transform_indices = @transform_3, window_bounds = array<i64: 64, 32>}, {pipeline_mode = #tpu.pipeline_mode<synchronous>, transform_indices = @transform_4, window_bounds = array<i64: 32>}, {transform_indices = @transform_5, window_bounds = array<i64: 5000, 128>}, {transform_indices = @transform_6, window_bounds = array<i64: 5000, 32>}, {transform_indices = @transform_7, window_bounds = array<i64: 5000, 1>}]} {
    %get3A = arith.constant 0 : index
    %get3A_0 = arith.constant 0 : index
    %get3A_1 = arith.constant 0 : index
    %get3A_2 = vector.load %arg1[%get3A, %get3A_0, %get3A_1] : memref<2x5000x128xf32, #tpu.memory_space<vmem>>, vector<1x5000x64xf32>
    %get3A_3 = vector.shape_cast %get3A_2 : vector<1x5000x64xf32> to vector<5000x64xf32>
    %get3A_4 = arith.constant 1 : index
    %get3A_5 = arith.constant 0 : index
    %get3A_6 = arith.constant 0 : index
    %get3A_7 = vector.load %arg1[%get3A_4, %get3A_5, %get3A_6] : memref<2x5000x128xf32, #tpu.memory_space<vmem>>, vector<1x5000x64xf32>
    %get3A_8 = vector.shape_cast %get3A_7 : vector<1x5000x64xf32> to vector<5000x64xf32>
    %add3A = arith.addf %get3A_3, %get3A_8 : vector<5000x64xf32>
    %get3A_9 = arith.constant 0 : index
    %get3A_10 = arith.constant 0 : index
    %get3A_11 = arith.constant 64 : index
    %get3A_12 = vector.load %arg1[%get3A_9, %get3A_10, %get3A_11] : memref<2x5000x128xf32, #tpu.memory_space<vmem>>, vector<1x5000x1xf32>
    %get3A_13 = vector.shape_cast %get3A_12 : vector<1x5000x1xf32> to vector<5000x1xf32>
    %get3A_14 = arith.constant 1 : index
    %get3A_15 = arith.constant 0 : index
    %get3A_16 = arith.constant 64 : index
    %get3A_17 = vector.load %arg1[%get3A_14, %get3A_15, %get3A_16] : memref<2x5000x128xf32, #tpu.memory_space<vmem>>, vector<1x5000x1xf32>
    %get3A_18 = vector.shape_cast %get3A_17 : vector<1x5000x1xf32> to vector<5000x1xf32>
    %add3A_19 = arith.addf %get3A_13, %get3A_18 : vector<5000x1xf32>
    %max3A = arith.constant 1.000000e+00 : f32
    %max3A_20 = vector.broadcast %max3A : f32 to vector<5000x1xf32>
    %max3A_21 = arith.maximumf %add3A_19, %max3A_20 : vector<5000x1xf32>
    %div3A = vector.broadcast %max3A_21 : vector<5000x1xf32> to vector<5000x64xf32>
    %div3A_22 = arith.divf %add3A, %div3A : vector<5000x64xf32>
    %get3A_23 = arith.constant 0 : index
    %get3A_24 = arith.constant 0 : index
    %get3A_25 = vector.load %arg2[%get3A_23, %get3A_24] : memref<5000x64xf32, #tpu.memory_space<vmem>>, vector<5000x64xf32>
    %add3A_26 = arith.addf %div3A_22, %get3A_25 : vector<5000x64xf32>
    %max3A_27 = arith.constant 0.000000e+00 : f32
    %max3A_28 = vector.broadcast %max3A_27 : f32 to vector<5000x64xf32>
    %max3A_29 = arith.maximumf %add3A_26, %max3A_28 : vector<5000x64xf32>
    %get3A_30 = arith.constant 0 : index
    %get3A_31 = arith.constant 0 : index
    %get3A_32 = vector.load %arg3[%get3A_30, %get3A_31] : memref<64x32xf32, #tpu.memory_space<vmem>>, vector<64x32xf32>
    %dot_general3A = arith.constant dense<0.000000e+00> : vector<5000x32xf32>
    %dot_general3A_33 = tpu.matmul %max3A_29, %get3A_32, %dot_general3A {dimension_numbers = #tpu.dot_dimension_numbers<[1], [0], [0], [1], [0, 0, 1, 1], [], []>, transpose_lhs_hint = false} : vector<5000x64xf32>, vector<64x32xf32>, vector<5000x32xf32> -> vector<5000x32xf32>
    %broadcast_in_dim3A = arith.constant 0.000000e+00 : f32
    %broadcast_in_dim3A_34 = vector.broadcast %broadcast_in_dim3A : f32 to vector<5000x96xf32>
    %concatenate3A = tpu.concatenate %dot_general3A_33, %broadcast_in_dim3A_34 in 1 : vector<5000x32xf32>, vector<5000x96xf32> -> vector<5000x128xf32>
    %swap3A = arith.constant 0 : index
    %swap3A_35 = arith.constant 0 : index
    %swap3A_36 = vector.load %arg6[%swap3A, %swap3A_35] : memref<5000x128xf32, #tpu.memory_space<vmem>>, vector<5000x128xf32>
    tpu.vector_store %arg6[%swap3A, %swap3A_35], %concatenate3A {strides = array<i32>} : memref<5000x128xf32, #tpu.memory_space<vmem>>, vector<5000x128xf32>,
    %get3A_37 = arith.constant 0 : index
    %get3A_38 = arith.constant 0 : index
    %get3A_39 = vector.load %arg4[%get3A_37, %get3A_38] : memref<64x32xf32, #tpu.memory_space<vmem>>, vector<64x32xf32>
    %dot_general3A_40 = arith.constant dense<0.000000e+00> : vector<5000x32xf32>
    %dot_general3A_41 = tpu.matmul %max3A_29, %get3A_39, %dot_general3A_40 {dimension_numbers = #tpu.dot_dimension_numbers<[1], [0], [0], [1], [0, 0, 1, 1], [], []>, transpose_lhs_hint = false} : vector<5000x64xf32>, vector<64x32xf32>, vector<5000x32xf32> -> vector<5000x32xf32>
    %get3A_42 = arith.constant 0 : index
    %get3A_43 = vector.load %arg5[%get3A_42] : memref<32xf32, #tpu.memory_space<vmem>>, vector<32xf32>
    %broadcast_in_dim3A_44 = vector.shape_cast %get3A_43 : vector<32xf32> to vector<1x32xf32>
    %add3A_45 = vector.broadcast %broadcast_in_dim3A_44 : vector<1x32xf32> to vector<5000x32xf32>
    %add3A_46 = arith.addf %dot_general3A_41, %add3A_45 : vector<5000x32xf32>
    %swap3A_47 = arith.constant 0 : index
    %swap3A_48 = arith.constant 0 : index
    %swap3A_49 = vector.load %arg7[%swap3A_47, %swap3A_48] : memref<5000x32xf32, #tpu.memory_space<vmem>>, vector<5000x32xf32>
    tpu.vector_store %arg7[%swap3A_47, %swap3A_48], %add3A_46 {strides = array<i32>} : memref<5000x32xf32, #tpu.memory_space<vmem>>, vector<5000x32xf32>,
    %swap3A_50 = arith.constant 0 : index
    %swap3A_51 = arith.constant 0 : index
    %swap3A_52 = vector.load %arg8[%swap3A_50, %swap3A_51] : memref<5000x1xf32, #tpu.memory_space<vmem>>, vector<5000x1xf32>
    tpu.vector_store %arg8[%swap3A_50, %swap3A_51], %max3A_21 {strides = array<i32>} : memref<5000x1xf32, #tpu.memory_space<vmem>>, vector<5000x1xf32>,
    return
  }
  func.func @transform_0(%arg0: i32) -> (i32, i32, i32) {
    %c0_i32 = arith.constant 0 : i32
    %c0_i32_0 = arith.constant 0 : i32
    %c0_i32_1 = arith.constant 0 : i32
    return %c0_i32, %arg0, %c0_i32_0 : i32, i32, i32
  }
  func.func @transform_1(%arg0: i32) -> (i32, i32) {
    %c0_i32 = arith.constant 0 : i32
    %c0_i32_0 = arith.constant 0 : i32
    return %arg0, %c0_i32 : i32, i32
  }
  func.func @transform_2(%arg0: i32) -> (i32, i32) {
    %c0_i32 = arith.constant 0 : i32
    %c0_i32_0 = arith.constant 0 : i32
    %c0_i32_1 = arith.constant 0 : i32
    return %c0_i32, %c0_i32_0 : i32, i32
  }
  func.func @transform_3(%arg0: i32) -> (i32, i32) {
    %c0_i32 = arith.constant 0 : i32
    %c0_i32_0 = arith.constant 0 : i32
    %c0_i32_1 = arith.constant 0 : i32
    return %c0_i32, %c0_i32_0 : i32, i32
  }
  func.func @transform_4(%arg0: i32) -> i32 {
    %c0_i32 = arith.constant 0 : i32
    %c0_i32_0 = arith.constant 0 : i32
    return %c0_i32 : i32
  }
  func.func @transform_5(%arg0: i32) -> (i32, i32) {
    %c0_i32 = arith.constant 0 : i32
    %c0_i32_0 = arith.constant 0 : i32
    return %arg0, %c0_i32 : i32, i32
  }
  func.func @transform_6(%arg0: i32) -> (i32, i32) {
    %c0_i32 = arith.constant 0 : i32
    %c0_i32_0 = arith.constant 0 : i32
    return %arg0, %c0_i32 : i32, i32
  }
  func.func @transform_7(%arg0: i32) -> (i32, i32) {
    %c0_i32 = arith.constant 0 : i32
    %c0_i32_0 = arith.constant 0 : i32
    return %arg0, %c0_i32 : i32, i32
  }
}

module attributes {stable_mosaic.version = 14 : i64} {
  func.func @_fin_body(%arg0: i32, %arg1: memref<2x5000x128xf32, #tpu.memory_space<vmem>>, %arg2: memref<5000x1xf32, #tpu.memory_space<vmem>>, %arg3: memref<5000x32xf32, #tpu.memory_space<vmem>>, %arg4: memref<5000x32xf32, #tpu.memory_space<vmem>>) attributes {dimension_semantics = [#tpu.dimension_semantics<arbitrary>], iteration_bounds = array<i64: 2>, scalar_prefetch = 0 : i64, scratch_operands = 0 : i64, tpu.core_type = #tpu.core_type<tc>, window_params = [{transform_indices = @transform_0, window_bounds = array<i64: 2, 5000, 128>}, {transform_indices = @transform_1, window_bounds = array<i64: 5000, 1>}, {transform_indices = @transform_2, window_bounds = array<i64: 5000, 32>}, {transform_indices = @transform_3, window_bounds = array<i64: 5000, 32>}]} {
    %get3A = arith.constant 0 : index
    %get3A_0 = arith.constant 0 : index
    %get3A_1 = arith.constant 0 : index
    %get3A_2 = vector.load %arg1[%get3A, %get3A_0, %get3A_1] : memref<2x5000x128xf32, #tpu.memory_space<vmem>>, vector<1x5000x32xf32>
    %get3A_3 = vector.shape_cast %get3A_2 : vector<1x5000x32xf32> to vector<5000x32xf32>
    %get3A_4 = arith.constant 1 : index
    %get3A_5 = arith.constant 0 : index
    %get3A_6 = arith.constant 0 : index
    %get3A_7 = vector.load %arg1[%get3A_4, %get3A_5, %get3A_6] : memref<2x5000x128xf32, #tpu.memory_space<vmem>>, vector<1x5000x32xf32>
    %get3A_8 = vector.shape_cast %get3A_7 : vector<1x5000x32xf32> to vector<5000x32xf32>
    %add3A = arith.addf %get3A_3, %get3A_8 : vector<5000x32xf32>
    %get3A_9 = arith.constant 0 : index
    %get3A_10 = arith.constant 0 : index
    %get3A_11 = vector.load %arg2[%get3A_9, %get3A_10] : memref<5000x1xf32, #tpu.memory_space<vmem>>, vector<5000x1xf32>
    %div3A = vector.broadcast %get3A_11 : vector<5000x1xf32> to vector<5000x32xf32>
    %div3A_12 = arith.divf %add3A, %div3A : vector<5000x32xf32>
    %get3A_13 = arith.constant 0 : index
    %get3A_14 = arith.constant 0 : index
    %get3A_15 = vector.load %arg3[%get3A_13, %get3A_14] : memref<5000x32xf32, #tpu.memory_space<vmem>>, vector<5000x32xf32>
    %add3A_16 = arith.addf %div3A_12, %get3A_15 : vector<5000x32xf32>
    %swap3A = arith.constant 0 : index
    %swap3A_17 = arith.constant 0 : index
    %swap3A_18 = vector.load %arg4[%swap3A, %swap3A_17] : memref<5000x32xf32, #tpu.memory_space<vmem>>, vector<5000x32xf32>
    tpu.vector_store %arg4[%swap3A, %swap3A_17], %add3A_16 {strides = array<i32>} : memref<5000x32xf32, #tpu.memory_space<vmem>>, vector<5000x32xf32>,
    return
  }
  func.func @transform_0(%arg0: i32) -> (i32, i32, i32) {
    %c0_i32 = arith.constant 0 : i32
    %c0_i32_0 = arith.constant 0 : i32
    %c0_i32_1 = arith.constant 0 : i32
    return %c0_i32, %arg0, %c0_i32_0 : i32, i32, i32
  }
  func.func @transform_1(%arg0: i32) -> (i32, i32) {
    %c0_i32 = arith.constant 0 : i32
    %c0_i32_0 = arith.constant 0 : i32
    return %arg0, %c0_i32 : i32, i32
  }
  func.func @transform_2(%arg0: i32) -> (i32, i32) {
    %c0_i32 = arith.constant 0 : i32
    %c0_i32_0 = arith.constant 0 : i32
    return %arg0, %c0_i32 : i32, i32
  }
  func.func @transform_3(%arg0: i32) -> (i32, i32) {
    %c0_i32 = arith.constant 0 : i32
    %c0_i32_0 = arith.constant 0 : i32
    return %arg0, %c0_i32 : i32, i32
  }
}

</mosaic_0001>

<sc_bundles>
// kernel: _run.10.cloned.1.call-start
scs
__scs_entry_jumppad:
0x0: {  	(pc) =	sbr.rel $0x88, $3  }
0x1: {  	(tag) =	ssettag $0x0;
	lr =	simm.s32 $0x1  }
0x2: {  	[smem:$0x3F99] =	sst lr;
	_ =	strace $0xD0000000  }
0x3: {  	_ = 	snop  }
0x4: {  	_ = 	snop  }
0x5: {  	_ = 	snop  }
0x6: {  	_ = 	snop  }
0x7: {  	_ = 	snop  }
__scs_overlays_trampoline_lowered:
0x8: {  	[smem:$0x3FA8] =	sst s0  }
0x9: {  	[smem:$0x3FA9] =	sst s1  }
0xa: {  	[smem:$0x3FAA] =	sst s2  }
0xb: {  	[smem:$0x3FAB] =	sst s3  }
0xc: {  	[smem:$0x3FAC] =	sst s4  }
0xd: {  	[smem:$0x3FAD] =	sst s5  }
0xe: {  	[smem:$0x3FAE] =	sst s6  }
0xf: {  	[smem:$0x3FAF] =	sst s7  }
0x10: {  	[smem:$0x3FB0] =	sst s8  }
0x11: {  	[smem:$0x3FB1] =	sst s9;
	s0 =	simm.s32 @!p0 $0x0  }
0x12: {  	s1 =	sld [smem:$0x3F97];
	s0 =	simm.s32 @p0 $0x1  }
0x13: {  	[smem:$0x3FB2] =	sst s0;
	s0 =	simm.s32 @!p1 $0x0  }
0x14: {  	s2 =	sld [smem:$0x3F96];
	s0 =	simm.s32 @p1 $0x1  }
0x15: {  	[smem:$0x3FB3] =	sst s0;
	s0 =	simm.s32 @!p2 $0x0  }
0x16: {  	s3 =	sld [smem:$0x3FDB];
	s0 =	simm.s32 @p2 $0x1  }
0x17: {  	s4 =	simm.s32 $0x1BF5;
	[smem:$0x3FB5] =	sst s0  }
0x18: {  	s0 =	sld [smem:$0x3F98];
	_ =	swait.ge [sflag:s4], $0x0  }
0x19: {  	s7 =	sld [smem:$0x3F99]  }
0x1a: {  	s8 =	sadd.s32 $0xFFFFE003, lr  }
0x1b: {  	s9 =	sadd.s32 $0xFFFFFEF7, lr;
	s5 =	simm.s32 $0xFFFFFFFF;
	p2 =	slt.u32 s8, $0xFFFFF086  }
0x1c: {  	p1 =	slt.u32 s9, $0xF7A;
	s5 =	simm.s32 @!p2 $0x0  }
0x1d: {  	s5 =	simm.s32 @p1 $0x1;
	p0 =	seq.s32 s7, s2  }
0x1e: {  	s7 =	smul.u32 @!p0 $0xF7A, s2;
	p2 =	seq.s32 @!p0 s5, $0x0  }
0x1f: {  	s9 =	smul.u32 $0xF7A, s1;
	s8 =	simm.s32 @!p0 $0x1BF5;
	p2 =	por !p2, p0  }
0x20: {  	[sflag:s8] =	ssyncset.s32 @!p0 $0xFFFFF086;
	s6 =	sadd.s32 @!p0 s3, s7;
	s7 =	simm.s32 @!p0 $0x108  }
0x21: {  	s3 =	sadd.s32 s3, s9;
	s6 =	sadd.s32 @!p0 $0x88, s6;
	s7 =	simm.s32 @p2 $0x1082  }
0x22: {  	[simem:s7], [sflag:s8] =	dma.local @!p0 [hbm:s6], $0xF7A  }
0x23: {  	s9 =	sor.u32 $0xD0000000, s2;
	s6 =	simm.s32 $0x108;
	_ =	swait.ge @!p0 [sflag:s8], $0x0  }
0x24: {  	s3 =	sadd.s32 $0x88, s3;
	s6 =	simm.s32 @!p1 $0x1082;
	[sflag:s4] =	ssyncset.s32 $0xFFFFF086  }
0x25: {  	[simem:s6], [sflag:s4] =	dma.local [hbm:s3], $0xF7A  }
0x26: {  	[smem:$0x3F99] =	sst s1;
	(tag) =	ssettag s2;
	_ =	strace s9  }
0x27: {  	s1 =	sld [smem:$0x3FA9]  }
0x28: {  	s2 =	sld [smem:$0x3FAA]  }
0x29: {  	s4 =	sld [smem:$0x3FAC]  }
0x2a: {  	p0 =	seq.s32 s5, $0x0;
	s5 =	sld [smem:$0x3FAD]  }
0x2b: {  	s6 =	sld [smem:$0x3FAE]  }
0x2c: {  	s7 =	sld [smem:$0x3FAF]  }
0x2d: {  	s3 =	simm.s32 $0x108;
	s8 =	sld [smem:$0x3FB0]  }
0x2e: {  	s3 =	simm.s32 @!p0 $0x1082;
	s9 =	sld [smem:$0x3FB1]  }
0x2f: {  	lr =	sadd.s32 s0, s3;
	s0 =	sld [smem:$0x3FA8]  }
0x30: {  	s3 =	sld [smem:$0x3FAB]  }
0x31: {  	[smem:$0x3FB4] =	sst s10  }
0x32: {  	s10 =	sld [smem:$0x3FB2];
	_ =	sdelay $0x3  }
0x33: {  	p0 =	seq.s32 s10, $0x1;
	s10 =	sld [smem:$0x3FB4];
	_ =	sdelay $0x3  }
0x34: {  	[smem:$0x3FB4] =	sst s10  }
0x35: {  	s10 =	sld [smem:$0x3FB3];
	_ =	sdelay $0x3  }
0x36: {  	p1 =	seq.s32 s10, $0x1;
	s10 =	sld [smem:$0x3FB4];
	_ =	sdelay $0x3  }
0x37: {  	[smem:$0x3FB4] =	sst s10  }
0x38: {  	s10 =	sld [smem:$0x3FB5]  }
0x39: {  	_ = 	snop;
	(pc) =	sbr.ind lr, $3  }
0x3a: {  	_ = 	snop  }
0x3b: {  	_ = 	snop  }
0x3c: {  	p2 =	seq.s32 s10, $0x1;
	s10 =	sld [smem:$0x3FB4]  }
0x3d: {  	_ =	shalt  }
0x3e: {  	_ =	shalt  }
0x3f: {  	_ =	shalt  }
0x40: {  	_ =	shalt  }
0x41: {  	_ =	shalt  }
0x42: {  	_ =	shalt  }
0x43: {  	_ =	shalt  }
0x44: {  	_ =	shalt  }
0x45: {  	_ =	shalt  }
0x46: {  	_ =	shalt  }
0x47: {  	_ =	shalt  }
0x48: {  	_ =	shalt  }
0x49: {  	_ =	shalt  }
0x4a: {  	_ =	shalt  }
0x4b: {  	_ =	shalt  }
0x4c: {  	_ =	shalt  }
0x4d: {  	_ =	shalt  }
0x4e: {  	_ =	shalt  }
0x4f: {  	_ =	shalt  }
0x50: {  	_ =	shalt  }
0x51: {  	_ =	shalt  }
0x52: {  	_ =	shalt  }
0x53: {  	_ =	shalt  }
0x54: {  	_ =	shalt  }
0x55: {  	_ =	shalt  }
0x56: {  	_ =	shalt  }
0x57: {  	_ =	shalt  }
0x58: {  	_ =	shalt  }
0x59: {  	_ =	shalt  }
0x5a: {  	_ =	shalt  }
0x5b: {  	_ =	shalt  }
0x5c: {  	_ =	shalt  }
0x5d: {  	_ =	shalt  }
0x5e: {  	_ =	shalt  }
0x5f: {  	_ =	shalt  }
0x60: {  	_ =	shalt  }
0x61: {  	_ =	shalt  }
0x62: {  	_ =	shalt  }
0x63: {  	_ =	shalt  }
0x64: {  	_ =	shalt  }
0x65: {  	_ =	shalt  }
0x66: {  	_ =	shalt  }
0x67: {  	_ =	shalt  }
0x68: {  	_ =	shalt  }
0x69: {  	_ =	shalt  }
0x6a: {  	_ =	shalt  }
0x6b: {  	_ =	shalt  }
0x6c: {  	_ =	shalt  }
0x6d: {  	_ =	shalt  }
0x6e: {  	_ =	shalt  }
0x6f: {  	_ =	shalt  }
0x70: {  	_ =	shalt  }
0x71: {  	_ =	shalt  }
0x72: {  	_ =	shalt  }
0x73: {  	_ =	shalt  }
0x74: {  	_ =	shalt  }
0x75: {  	_ =	shalt  }
0x76: {  	_ =	shalt  }
0x77: {  	_ =	shalt  }
0x78: {  	_ =	shalt  }
0x79: {  	_ =	shalt  }
0x7a: {  	_ =	shalt  }
0x7b: {  	_ =	shalt  }
0x7c: {  	_ =	shalt  }
0x7d: {  	_ =	shalt  }
0x7e: {  	_ =	shalt  }
0x7f: {  	_ =	shalt  }
0x80: {  	_ =	shalt  }
0x81: {  	_ =	shalt  }
0x82: {  	_ =	shalt  }
0x83: {  	_ =	shalt  }
0x84: {  	_ =	shalt  }
0x85: {  	_ =	shalt  }
0x86: {  	_ =	shalt  }
0x87: {  	_ =	shalt  }
.Lfunc_end0:
.L_simem_size_0:
called_computation.1_lowered:
.L_overlay_start_0:
0x88: {  	s2 =	sld [smem:$0x3FD9]  }
0x89: {  	s3 =	sld [smem:$0x3FFE];
	_ =	sdelay $0x1  }
0x8a: {  	s1 =	srdreg.scid  }
0x8b: {  	s0 =	sand.u32 $0x1, s1  }
0x8c: {  	s16 =	sshll.u32 s0, $0xA;
	s2 =	sadd.s32 s3, s2  }
0x8d: {  	s2 =	sadd.s32 s2, s16  }
0x8e: {  	[smem:$0x3FC0] =	sst s2  }
0x8f: {  	_ = 	snop  }
0x90: {  	(tm) =	ssettm $0x1  }
0x91: {  	s17 =	sld [smem:$0x3FFB];
	_ =	sdelay $0x3  }
0x92: {  	_ =	strace s17  }
0x93: {  	s2 =	sld [smem:$0x3FFC];
	_ =	sdelay $0x3  }
0x94: {  	_ =	strace s2  }
0x95: {  	s2 =	sld [smem:$0x3FFD];
	_ =	sdelay $0x3  }
0x96: {  	_ =	strace s2  }
0x97: {  	_ =	strace $0x8FFFFFFF  }
0x98: {  	s18 =	sld [smem:$0x3FDB];
	_ =	sdelay $0x1  }
0x99: {  	s19 =	simm.s32 $_scs_section_size  }
0x9a: {  	s4 =	simm.s32 $_size__tile_overlayer_lowered;
	s5 =	simm.s32 $_tile_overlayer_lowered  }
0x9b: {  	s22 =	simm.s32 $0x1BFF;
	s21 =	sshll.u32 s5, $0x1;
	s2 =	sadd.s32 s19, s18  }
0x9c: {  	s6 =	simm.s32 $0x0;
	s20 =	sshll.u32 s4, $0x1;
	s4 =	sadd.s32 s21, s2  }
0x9d: {  	[timem:s6], [sflag:s22] =	dma.local [hbm:s4], s20  }
0x9e: {  	_ =	swait.ge [sflag:s22], s20  }
0x9f: {  	s3 =	ssub.s32 $0x0, s20;
	[sflag:s22] =	ssyncset.done $0x0  }
0xa0: {  	[sflag:s22] =	ssyncadd.s32 s3;
	_ =	sdelay $0x1  }
0xa1: {  	s23 =	simm.s32 $0x1B8B  }
0xa2: {  	_ =	swait.ge [sflag:s23], $0x1  }
0xa3: {  	[sflag:s23] =	ssyncset.done $0x0  }
0xa4: {  	s25 =	simm.s32 $0x1B8E;
	s24 =	sld [smem:$0x3FFE];
	[sflag:s23] =	ssyncadd.s32 $0xFFFFFFFF  }
0xa5: {  	s26 =	simm.s32 $execute0_lowered;
	[smem:$0x3FD2] =	sst s25  }
0xa6: {  	s4 =	sshll.u32 s26, $0x1;
	_ =	strace $0x80000049;
	[dreg:$0x1] =	wrdreg $0xFFFFFFFF  }
0xa7: {  	s28 =	simm.s32 $_size_execute0_lowered;
	s2 =	sadd.s32 s2, s4;
	[dreg:$0x0] =	wrdreg $0x0  }
0xa8: {  	s4 =	sshll.u32 s28, $0x1;
	[dreg:$0x2] =	wrdreg s2  }
0xa9: {  	[dreg:$0x3] =	wrdreg s4  }
0xaa: {  	[dreg:$0x4] =	wrdreg $0xC0  }
0xab: {  	_ =	task [dreg:s6], $0x5FFFF  }
0xac: {  	[dreg:$0x1] =	wrdreg $0xFFFFFFFF  }
0xad: {  	[dreg:$0x0] =	wrdreg $0x60  }
0xae: {  	[dreg:$0x2] =	wrdreg s24  }
0xaf: {  	[dreg:$0x3] =	wrdreg $0x80200  }
0xb0: {  	[dreg:$0x4] =	wrdreg $0xCE400  }
0xb1: {  	[dreg:$0x5] =	wrdreg $0x9  }
0xb2: {  	_ =	task.clear_ibuf [dreg:s6], $0x6FFFF;
	_ =	strace $0x90000049  }
0xb3: {  	s29 =	simm.s32 $0x9;
	_ =	strace $0x8000004B  }
0xb4: {  	_ =	swait.ge [sflag:s29], $0x1  }
0xb5: {  	[sflag:s29] =	ssyncadd.s32 $0xFFFFFFFF  }
0xb6: {  	_ =	strace $0x9000004B  }
0xb7: {  	_ =	sfence  }
0xb8: {  	s30 =	sld [smem:$0x0];
	_ =	sdelay $0x2  }
0xb9: {  	s31 =	sshll.u32 s1, $0xD;
	s1 =	sshrl.u32 s1, $0x2  }
0xba: {  	s3 =	sand.u32 $0x4000, s31;
	s1 =	sadd.s32 s1, s30  }
0xbb: {  	s0 =	sor.u32 s3, s0;
	s1 =	sshll.u32 s1, $0x11  }
0xbc: {  	s0 =	sor.u32 s1, s0  }
0xbd: {  	s0 =	sadd.s32 $0x8F2B, s0  }
0xbe: {  	[sflag:s0] =	ssyncadd.remote.s32 $0x1  }
0xbf: {  	_ =	sfence.sel $0xFFFF  }
0xc0: {  	[dreg:$0x0] =	wrdreg $0xFFFFFFFF;
	(pc) =	sbr.abs _section_cstart, $3  }
0xc1: {  	[dreg:$0x1] =	wrdreg $0xFFFFFFFF  }
0xc2: {  	_ =	task.clear_ibuf [dreg:s6], $0x2FFFF;
	_ =	strace $0x9FFFFFFF  }
0xc3: {  	(tm) =	ssettm $0x7FFFFFFF  }
tec
execute0_lowered:
.L_overlay_start_1:
0x0: {  	(tag) =	ssettag $0x1  }
0x1: {  	s0 =	rddreg [dreg:$0x0]  }
0x2: {  	s2 =	rddreg [dreg:$0x1]  }
0x3: {  	s3 =	rddreg [dreg:$0x2]  }
0x4: {  	s10 =	stileid.u32;
	s1 =	srdreg.scid;
	s4 =	simm.s32 $0x0  }
0x5: {  	s18 =	simm.s32 $0xC;
	s20 =	simm.s32 $0x1;
	s21 =	simm.s32 $0x4  }
0x6: {  	s22 =	simm.s32 $0x10;
	s23 =	simm.s32 $0x4E20;
	s24 =	simm.s32 $0xB  }
0x7: {  	s25 =	simm.s32 $0x50;
	s5 =	smul.u32 $0x13880, s10;
	s1 =	sand.u32 $0x1, s1  }
0x8: {  	[smem:$0x7FF] =	sst s4;
	s17 =	sadd.s32 $0x1800, s0;
	s11 =	smul.u32 $0x4E20, s10  }
0x9: {  	s7 =	sshll.u32 s10, $0x1;
	s6 =	smul.u32 $0x138800, s1;
	_ =	strace $0x8000004A  }
0xa: {  	s7 =	sor.u32 s1, s7;
	s29 =	ssub.s32 $0x2, s1;
	s1 =	smul.u32 $0x2710, s1  }
0xb: {  	s8 =	sshrl.u32 s5, $0x3;
	s7 =	smul.u32 $0x2710, s7;
	s9 =	sshrl.u32 s29, $0x1  }
0xc: {  	s19 =	sadd.s32 s11, s2;
	s6 =	sadd.s32 s5, s6;
	s8 =	sadd.s32 s8, s0  }
0xd: {  	s16 =	ssub.s32 s29, s9;
	s5 =	sshrl.u32 s5, $0x2;
	s1 =	sadd.s32 s1, s11  }
0xe: {  	s19 =	sshrl.u32 s19, $0x3;
	s6 =	sshrl.u32 s6, $0x3;
	s7 =	sshrl.u32 s7, $0x3  }
0xf: {  	s5 =	sadd.s32 s5, s3;
	s31 =	sadd.s32 $0x15200, s8;
	s1 =	sadd.s32 $0x4E200, s1  }
0x10: {  	s16 =	smax.u32 s16, $0x1;
	s0 =	sadd.s32 s6, s0;
	s30 =	sadd.s32 s17, s7  }
0x11: {  	[dreg:$0x5] =	wrdreg s31;
	s7 =	sadd.s32 s11, s3;
	s8 =	sadd.s32 $0xA00, s5  }
0x12: {  	s9 =	sadd.s32 $0x1400, s5;
	s10 =	sadd.s32 $0x1E00, s5;
	s11 =	sadd.s32 $0x2800, s5  }
0x13: {  	s12 =	sadd.s32 $0x3200, s5;
	s13 =	sadd.s32 $0x3C00, s5;
	s14 =	sadd.s32 $0x4600, s5  }
0x14: {  	s1 =	sshrl.u32 s1, $0x3;
	[dreg:$0x4] =	wrdreg s30;
	s15 =	sadd.s32 $0x3C400, s0  }
0x15: {  	v0 =	vimm.f32 $0.0e+00;
	s17 =	sadd.s32 s1, s17;
	s0 =	simm.s32 $0xA;
	s1 =	simm.s32 $0x0  }
.LBB2_1:
0x16: {  	s5 =	rddreg [dreg:$0x4]  }
0x17: {  	[tilespmem:s4], [sflag:$0xC] =	stream.linear.gather [hbm4b:s5+s4], $0x2710, $0x38;
	[tilespmem:$0x11C60] =	vst v63  }
0x18: {  	_ =	swait.ge [sflag:s18], $0x2710  }
0x19: {  	s26 =	simm.s32 $0x2710;
	s28 =	simm.s32 $0xA;
	[sflag:s18] =	ssyncset.done $0x0  }
0x1a: {  	s29 =	simm.s32 $0x2760;
	s5 =	sadd.s32 $0x0, s17;
	[sflag:s18] =	ssyncadd.s32 $0xFFFFD8F0  }
.LBB2_2:
0x1b: {  	[tilespmem:s26], [sflag:$0xB] =	stream.linear.gather [hbm4b:s5+s4], $0x50, $0x38;
	[tilespmem:$0x11C60] =	vst v63  }
0x1c: {  	s5 =	smov.u32 s28;
	s26 =	smov.u32 s29;
	p0 =	sne.s32 s28, $0x4D8  }
.Ltmp0:
0x1d: {  	s28 =	sadd.s32 $0xA, s28;
	(pc) =	sbr.rel @p0 .LBB2_2-.Ltmp0, $2  }
0x1e: {  	_ =	sdelay $0x2  }
0x1f: {  	s29 =	sadd.s32 $0x50, s29;
	s5 =	sadd.s32 s5, s17  }
0x20: {  	[tilespmem:s26], [sflag:$0xB] =	stream.linear.gather [hbm4b:s5+s4], $0x50, $0x38;
	[tilespmem:$0x11C60] =	vst v63  }
0x21: {  	s29 =	stileid.u32  }
0x22: {  	s5 =	sshll.u32 s29, $0x6  }
0x23: {  	s30 =	rddreg [dreg:$0x5];
	s26 =	sor.u32 $0x1C0C, s5  }
0x24: {  	[spmem:s19@s21], [sflag:s26] =	dma.strided [hbm:s30@s22], $0x9C4, s20, $0x4   }
0x25: {  	s31 =	simm.s32 $0x0;
	_ =	swait.ge [sflag:s18], $0x9C4  }
0x26: {  	s5 =	sand.u32 $0x3FC0, s31;
	[sflag:s18] =	ssyncset.done $0x0  }
0x27: {  	s28 =	simm.s32 $0x40;
	s5 =	sshrl.u32 s5, $0x2;
	[sflag:s18] =	ssyncadd.s32 $0xFFFFF63C  }
.LBB2_4:
0x28: {  	p0 =	sne.s32 s28, $0x27C0;
	[tilespmem:s5+$0x4E20] =	vst v0;
	s5 =	smov.u32 s28;
	s28 =	sadd.s32 $0x40, s28  }
.Ltmp1:
0x29: {  	(pc) =	sbr.rel @p0 .LBB2_4-.Ltmp1, $3  }
0x2a: {  	_ =	sdelay $0x1  }
0x2b: {  	s5 =	sand.u32 $0x3FC0, s5  }
0x2c: {  	s5 =	sshrl.u32 s5, $0x2  }
0x2d: {  	[tilespmem:s5+$0x4E20] =	vst v0  }
0x2e: {  	[spmem:s7] =	stream.linear.scatter [tilespmem:s23], [sflag:$0xC], $0xA00, $0x38;
	[tilespmem:$0x11C60] =	vst v63  }
0x2f: {  	_ =	swait.ge [sflag:s18], $0xA00  }
0x30: {  	[sflag:s18] =	ssyncset.done $0x0  }
0x31: {  	[sflag:s18] =	ssyncadd.s32 $0xFFFFF600  }
0x32: {  	[spmem:s8] =	stream.linear.scatter [tilespmem:s23], [sflag:$0xC], $0xA00, $0x38;
	[tilespmem:$0x11C60] =	vst v63  }
0x33: {  	_ =	swait.ge [sflag:s18], $0xA00  }
0x34: {  	[sflag:s18] =	ssyncset.done $0x0  }
0x35: {  	[sflag:s18] =	ssyncadd.s32 $0xFFFFF600  }
0x36: {  	[spmem:s9] =	stream.linear.scatter [tilespmem:s23], [sflag:$0xC], $0xA00, $0x38;
	[tilespmem:$0x11C60] =	vst v63  }
0x37: {  	_ =	swait.ge [sflag:s18], $0xA00  }
0x38: {  	[sflag:s18] =	ssyncset.done $0x0  }
0x39: {  	[sflag:s18] =	ssyncadd.s32 $0xFFFFF600  }
0x3a: {  	[spmem:s10] =	stream.linear.scatter [tilespmem:s23], [sflag:$0xC], $0xA00, $0x38;
	[tilespmem:$0x11C60] =	vst v63  }
0x3b: {  	_ =	swait.ge [sflag:s18], $0xA00  }
0x3c: {  	[sflag:s18] =	ssyncset.done $0x0  }
0x3d: {  	[sflag:s18] =	ssyncadd.s32 $0xFFFFF600  }
0x3e: {  	[spmem:s11] =	stream.linear.scatter [tilespmem:s23], [sflag:$0xC], $0xA00, $0x38;
	[tilespmem:$0x11C60] =	vst v63  }
0x3f: {  	_ =	swait.ge [sflag:s18], $0xA00  }
0x40: {  	[sflag:s18] =	ssyncset.done $0x0  }
0x41: {  	[sflag:s18] =	ssyncadd.s32 $0xFFFFF600  }
0x42: {  	[spmem:s12] =	stream.linear.scatter [tilespmem:s23], [sflag:$0xC], $0xA00, $0x38;
	[tilespmem:$0x11C60] =	vst v63  }
0x43: {  	_ =	swait.ge [sflag:s18], $0xA00  }
0x44: {  	[sflag:s18] =	ssyncset.done $0x0  }
0x45: {  	[sflag:s18] =	ssyncadd.s32 $0xFFFFF600  }
0x46: {  	[spmem:s13] =	stream.linear.scatter [tilespmem:s23], [sflag:$0xC], $0xA00, $0x38;
	[tilespmem:$0x11C60] =	vst v63  }
0x47: {  	_ =	swait.ge [sflag:s18], $0xA00  }
0x48: {  	[sflag:s18] =	ssyncset.done $0x0  }
0x49: {  	[sflag:s18] =	ssyncadd.s32 $0xFFFFF600  }
0x4a: {  	[spmem:s14] =	stream.linear.scatter [tilespmem:s23], [sflag:$0xC], $0x820, $0x38;
	[tilespmem:$0x11C60] =	vst v63  }
0x4b: {  	_ =	swait.ge [sflag:s18], $0x820  }
0x4c: {  	[sflag:s18] =	ssyncset.done $0x0  }
0x4d: {  	[sflag:s18] =	ssyncadd.s32 $0xFFFFF7E0  }
0x4e: {  	_ =	swait.ge [sflag:s24], $0x50  }
0x4f: {  	s28 =	simm.s32 $0x7C;
	[sflag:s24] =	ssyncset.done $0x0  }
.LBB2_6:
0x50: {  	p0 =	sne.s32 s28, $0x1;
	s28 =	sadd.s32 $0xFFFFFFFF, s28;
	[sflag:s24] =	ssyncadd.s32 $0xFFFFFFB0  }
.Ltmp2:
0x51: {  	(pc) =	sbr.rel @p0 .LBB2_6-.Ltmp2, $3  }
0x52: {  	_ =	sdelay $0x1  }
0x53: {  	_ =	swait.ge [sflag:s24], $0x50  }
0x54: {  	[sflag:s24] =	ssyncset.done $0x0  }
0x55: {  	[sflag:s24] =	ssyncadd.s32 $0xFFFFFFB0  }
0x56: {  	s28 =	simm.s32 $0x0;
	[bflag:$0x0] =	sbarrier.arrive $0xFFFF  }
0x57: {  	[tilespmem:s23], [sflag:$0x1] =	stream.indirect.gather [spmem:s2], $0x20, s28, s25, $0xb8;
	[tilespmem:$0x11C60] =	vst v63  }
0x58: {  	s5 =	simm.s32 $0x5820  }
0x59: {  	[tilespmem:s5], [sflag:$0x2] =	stream.indirect.gather [spmem:s2], $0x20, s25, s25, $0xb8;
	[tilespmem:$0x11C60] =	vst v63  }
0x5a: {  	s31 =	simm.s32 $0xA0;
	s6 =	simm.s32 $0x6220;
	s29 =	simm.s32 $0x2710  }
0x5b: {  	[tilespmem:s6], [sflag:$0x3] =	stream.indirect.gather [spmem:s2], $0x20, s31, s25, $0xb8;
	[tilespmem:$0x11C60] =	vst v63  }
0x5c: {  	s30 =	simm.s32 $0x140;
	s6 =	simm.s32 $0xF0;
	s31 =	simm.s32 $0x6C20  }
0x5d: {  	[tilespmem:s31], [sflag:$0x4] =	stream.indirect.gather [spmem:s2], $0x20, s6, s25, $0xb8;
	[tilespmem:$0x11C60] =	vst v63  }
.LBB2_8:
0x5e: {  	s31 =	smul.u32 $0xCD, s28;
	_ =	sdelay $0x1  }
0x5f: {  	s5 =	sadd.s32 $0x334, s31  }
0x60: {  	s5 =	sshrl.u32 s5, $0xA  }
0x61: {  	s5 =	sand.u32 $0x3F, s5  }
0x62: {  	s5 =	smul.u32 $0x5, s5;
	_ =	sdelay $0x1  }
0x63: {  	s5 =	ssub.s32 s28, s5  }
0x64: {  	s5 =	sadd.s32 $0x4, s5  }
0x65: {  	p0 =	seq.s32 s28, $0x0;
	s5 =	sand.u32 $0xFF, s5  }
0x66: {  	s6 =	sadd.s32 @!p0 $0x6, s5  }
0x67: {  	p1 =	sgt.u32 @!p0 s28, $0x78;
	_ =	swait.ge @!p0 [sflag:s6], $0xA00  }
0x68: {  	p1 =	por p0, !p1;
	[sflag:s6] =	ssyncset.done @!p0 $0x0  }
0x69: {  	[sflag:s6] =	ssyncadd.s32 @!p0 $0xFFFFF600;
	s6 =	smul.u32 @p1 $0x2800, s5;
	_ =	sdelay $0x1  }
0x6a: {  	s6 =	sshrl.u32 @p1 s6, $0x2  }
0x6b: {  	s31 =	sshrl.u32 s31, $0xA;
	s5 =	sadd.s32 @p1 $0x1, s5;
	s6 =	sadd.s32 @p1 $0x4E20, s6  }
0x6c: {  	[tilespmem:s6], [sflag:s5] =	stream.indirect.gather @p1 [spmem:s2], $0x20, s30, s25, $0xb8;
	[tilespmem:$0x11C60] =	vst v63  }
0x6d: {  	s5 =	sand.u32 $0x3F, s31  }
0x6e: {  	s5 =	smul.u32 $0x5, s5;
	_ =	sdelay $0x1  }
0x6f: {  	s5 =	ssub.s32 s28, s5  }
0x70: {  	s28 =	sadd.s32 $0x1, s28;
	s5 =	sand.u32 $0xFF, s5  }
0x71: {  	p0 =	sne.s32 s28, $0x7D;
	s6 =	smul.u32 $0x2800, s5;
	s31 =	sadd.s32 $0x1, s5  }
.Ltmp3:
0x72: {  	_ =	swait.ge [sflag:s31], $0xA00;
	(pc) =	sbr.rel @p0 .LBB2_8-.Ltmp3, $4  }
0x73: {  	s6 =	sshrl.u32 s6, $0x2;
	[sflag:s31] =	ssyncset.done $0x0  }
0x74: {  	s5 =	sadd.s32 $0x6, s5;
	s6 =	sadd.s32 $0x4E20, s6;
	[sflag:s31] =	ssyncadd.s32 $0xFFFFF600  }
0x75: {  	[spmem:s3] =	stream.indirect.scatter.add.f32 [tilespmem:s6], [sflag:s5], $0x20, s29, s25, $0xb8;
	[tilespmem:$0x11C60] =	vst v63  }
0x76: {  	s30 =	sadd.s32 $0x50, s30;
	s29 =	sadd.s32 $0x50, s29  }
0x77: {  	_ =	swait.ge [sflag:s0], $0xA00  }
0x78: {  	s1 =	sadd.s32 $0x1, s1;
	[sflag:s0] =	ssyncset.done $0x0  }
0x79: {  	p0 =	sne.s32 s1, s16;
	[sflag:s0] =	ssyncadd.s32 $0xFFFFF600  }
.Ltmp4:
0x7a: {  	s5 =	sshrl.u32 s7, $0x3;
	[bflag:$0x0] =	sbarrier.arrive $0xFFFF;
	(pc) =	sbr.rel @p0 .LBB2_1-.Ltmp4, $4  }
0x7b: {  	[hbm:s15@s22], [sflag:s26] =	dma.strided [spmem:s5@s21], $0x9C4, s20, $0x4   }
0x7c: {  	_ =	swait.ge [sflag:s18], $0x9C4  }
0x7d: {  	[sflag:s18] =	ssyncset.done $0x0  }
0x7e: {  	[sflag:s18] =	ssyncadd.s32 $0xFFFFF63C  }
0x7f: {  	_ =	sfence.sel $0x180000  }
0x80: {  	[bflag:$0x0] =	sbarrier.arrive $0xFFFF  }
0x81: {  	_ =	strace $0x9000004A  }
0x82: {  	s0 =	stileid.u32;
	[bflag:$0x2] =	sbarrier.arrive $0xFFFF  }
0x83: {  	p0 =	sne.s32 s0, $0x0;
	s0 =	rddreg [dreg:$0x3]  }
0x84: {  	s0 =	sadd.s32 @!p0 $0x100000, s0  }
0x85: {  	[sflag:s0] =	ssyncadd.tile.s32 @!p0 $0x1;
	_ =	shalt  }
.Lfunc_end2:
_tile_overlayer_lowered:
.L_overlay_start_2:
0x86: {  	(tag) =	ssettag $0x2  }
0x87: {  	s0 =	rddreg [dreg:$0x0];
	s2 =	stileid.u32  }
0x88: {  	s1 =	rddreg [dreg:$0x1];
	p0 =	sne.s32 s2, $0x0  }
0x89: {  	s3 =	rddreg [dreg:$0x2];
	[bflag:$0x3] =	sbarrier.arrive $0xFFFF;
	s2 =	simm.s32 @!p0 $0x1C0C  }
0x8a: {  	[timem:s3], [sflag:s2] =	dma.local @!p0 [hbm:s0], s1  }
0x8b: {  	s0 =	simm.s32 @!p0 $0xC  }
0x8c: {  	_ =	swait.ge @!p0 [sflag:s0], s1  }
0x8d: {  	s1 =	ssub.s32 @!p0 $0x0, s1;
	[sflag:s0] =	ssyncset.done @!p0 $0x0  }
0x8e: {  	[sflag:s0] =	ssyncadd.s32 @!p0 s1  }
0x8f: {  	[bflag:$0x3] =	sbarrier.arrive $0xFFFF  }
0x90: {  	_ =	shalt  }

// kernel: _run.7.cloned.1.call-start
scs
__scs_entry_jumppad:
0x0: {  	(pc) =	sbr.rel $0x88, $3  }
0x1: {  	(tag) =	ssettag $0x0;
	lr =	simm.s32 $0x1  }
0x2: {  	[smem:$0x3F99] =	sst lr;
	_ =	strace $0xD0000000  }
0x3: {  	_ = 	snop  }
0x4: {  	_ = 	snop  }
0x5: {  	_ = 	snop  }
0x6: {  	_ = 	snop  }
0x7: {  	_ = 	snop  }
__scs_overlays_trampoline_lowered:
0x8: {  	[smem:$0x3FA8] =	sst s0  }
0x9: {  	[smem:$0x3FA9] =	sst s1  }
0xa: {  	[smem:$0x3FAA] =	sst s2  }
0xb: {  	[smem:$0x3FAB] =	sst s3  }
0xc: {  	[smem:$0x3FAC] =	sst s4  }
0xd: {  	[smem:$0x3FAD] =	sst s5  }
0xe: {  	[smem:$0x3FAE] =	sst s6  }
0xf: {  	[smem:$0x3FAF] =	sst s7  }
0x10: {  	[smem:$0x3FB0] =	sst s8  }
0x11: {  	[smem:$0x3FB1] =	sst s9;
	s0 =	simm.s32 @!p0 $0x0  }
0x12: {  	s1 =	sld [smem:$0x3F97];
	s0 =	simm.s32 @p0 $0x1  }
0x13: {  	[smem:$0x3FB2] =	sst s0;
	s0 =	simm.s32 @!p1 $0x0  }
0x14: {  	s2 =	sld [smem:$0x3F96];
	s0 =	simm.s32 @p1 $0x1  }
0x15: {  	[smem:$0x3FB3] =	sst s0;
	s0 =	simm.s32 @!p2 $0x0  }
0x16: {  	s3 =	sld [smem:$0x3FDB];
	s0 =	simm.s32 @p2 $0x1  }
0x17: {  	s4 =	simm.s32 $0x1BF5;
	[smem:$0x3FB5] =	sst s0  }
0x18: {  	s0 =	sld [smem:$0x3F98];
	_ =	swait.ge [sflag:s4], $0x0  }
0x19: {  	s7 =	sld [smem:$0x3F99]  }
0x1a: {  	s8 =	sadd.s32 $0xFFFFE003, lr  }
0x1b: {  	s9 =	sadd.s32 $0xFFFFFEF7, lr;
	s5 =	simm.s32 $0xFFFFFFFF;
	p2 =	slt.u32 s8, $0xFFFFF086  }
0x1c: {  	p1 =	slt.u32 s9, $0xF7A;
	s5 =	simm.s32 @!p2 $0x0  }
0x1d: {  	s5 =	simm.s32 @p1 $0x1;
	p0 =	seq.s32 s7, s2  }
0x1e: {  	s7 =	smul.u32 @!p0 $0xF7A, s2;
	p2 =	seq.s32 @!p0 s5, $0x0  }
0x1f: {  	s9 =	smul.u32 $0xF7A, s1;
	s8 =	simm.s32 @!p0 $0x1BF5;
	p2 =	por !p2, p0  }
0x20: {  	[sflag:s8] =	ssyncset.s32 @!p0 $0xFFFFF086;
	s6 =	sadd.s32 @!p0 s3, s7;
	s7 =	simm.s32 @!p0 $0x108  }
0x21: {  	s3 =	sadd.s32 s3, s9;
	s6 =	sadd.s32 @!p0 $0x88, s6;
	s7 =	simm.s32 @p2 $0x1082  }
0x22: {  	[simem:s7], [sflag:s8] =	dma.local @!p0 [hbm:s6], $0xF7A  }
0x23: {  	s9 =	sor.u32 $0xD0000000, s2;
	s6 =	simm.s32 $0x108;
	_ =	swait.ge @!p0 [sflag:s8], $0x0  }
0x24: {  	s3 =	sadd.s32 $0x88, s3;
	s6 =	simm.s32 @!p1 $0x1082;
	[sflag:s4] =	ssyncset.s32 $0xFFFFF086  }
0x25: {  	[simem:s6], [sflag:s4] =	dma.local [hbm:s3], $0xF7A  }
0x26: {  	[smem:$0x3F99] =	sst s1;
	(tag) =	ssettag s2;
	_ =	strace s9  }
0x27: {  	s1 =	sld [smem:$0x3FA9]  }
0x28: {  	s2 =	sld [smem:$0x3FAA]  }
0x29: {  	s4 =	sld [smem:$0x3FAC]  }
0x2a: {  	p0 =	seq.s32 s5, $0x0;
	s5 =	sld [smem:$0x3FAD]  }
0x2b: {  	s6 =	sld [smem:$0x3FAE]  }
0x2c: {  	s7 =	sld [smem:$0x3FAF]  }
0x2d: {  	s3 =	simm.s32 $0x108;
	s8 =	sld [smem:$0x3FB0]  }
0x2e: {  	s3 =	simm.s32 @!p0 $0x1082;
	s9 =	sld [smem:$0x3FB1]  }
0x2f: {  	lr =	sadd.s32 s0, s3;
	s0 =	sld [smem:$0x3FA8]  }
0x30: {  	s3 =	sld [smem:$0x3FAB]  }
0x31: {  	[smem:$0x3FB4] =	sst s10  }
0x32: {  	s10 =	sld [smem:$0x3FB2];
	_ =	sdelay $0x3  }
0x33: {  	p0 =	seq.s32 s10, $0x1;
	s10 =	sld [smem:$0x3FB4];
	_ =	sdelay $0x3  }
0x34: {  	[smem:$0x3FB4] =	sst s10  }
0x35: {  	s10 =	sld [smem:$0x3FB3];
	_ =	sdelay $0x3  }
0x36: {  	p1 =	seq.s32 s10, $0x1;
	s10 =	sld [smem:$0x3FB4];
	_ =	sdelay $0x3  }
0x37: {  	[smem:$0x3FB4] =	sst s10  }
0x38: {  	s10 =	sld [smem:$0x3FB5]  }
0x39: {  	_ = 	snop;
	(pc) =	sbr.ind lr, $3  }
0x3a: {  	_ = 	snop  }
0x3b: {  	_ = 	snop  }
0x3c: {  	p2 =	seq.s32 s10, $0x1;
	s10 =	sld [smem:$0x3FB4]  }
0x3d: {  	_ =	shalt  }
0x3e: {  	_ =	shalt  }
0x3f: {  	_ =	shalt  }
0x40: {  	_ =	shalt  }
0x41: {  	_ =	shalt  }
0x42: {  	_ =	shalt  }
0x43: {  	_ =	shalt  }
0x44: {  	_ =	shalt  }
0x45: {  	_ =	shalt  }
0x46: {  	_ =	shalt  }
0x47: {  	_ =	shalt  }
0x48: {  	_ =	shalt  }
0x49: {  	_ =	shalt  }
0x4a: {  	_ =	shalt  }
0x4b: {  	_ =	shalt  }
0x4c: {  	_ =	shalt  }
0x4d: {  	_ =	shalt  }
0x4e: {  	_ =	shalt  }
0x4f: {  	_ =	shalt  }
0x50: {  	_ =	shalt  }
0x51: {  	_ =	shalt  }
0x52: {  	_ =	shalt  }
0x53: {  	_ =	shalt  }
0x54: {  	_ =	shalt  }
0x55: {  	_ =	shalt  }
0x56: {  	_ =	shalt  }
0x57: {  	_ =	shalt  }
0x58: {  	_ =	shalt  }
0x59: {  	_ =	shalt  }
0x5a: {  	_ =	shalt  }
0x5b: {  	_ =	shalt  }
0x5c: {  	_ =	shalt  }
0x5d: {  	_ =	shalt  }
0x5e: {  	_ =	shalt  }
0x5f: {  	_ =	shalt  }
0x60: {  	_ =	shalt  }
0x61: {  	_ =	shalt  }
0x62: {  	_ =	shalt  }
0x63: {  	_ =	shalt  }
0x64: {  	_ =	shalt  }
0x65: {  	_ =	shalt  }
0x66: {  	_ =	shalt  }
0x67: {  	_ =	shalt  }
0x68: {  	_ =	shalt  }
0x69: {  	_ =	shalt  }
0x6a: {  	_ =	shalt  }
0x6b: {  	_ =	shalt  }
0x6c: {  	_ =	shalt  }
0x6d: {  	_ =	shalt  }
0x6e: {  	_ =	shalt  }
0x6f: {  	_ =	shalt  }
0x70: {  	_ =	shalt  }
0x71: {  	_ =	shalt  }
0x72: {  	_ =	shalt  }
0x73: {  	_ =	shalt  }
0x74: {  	_ =	shalt  }
0x75: {  	_ =	shalt  }
0x76: {  	_ =	shalt  }
0x77: {  	_ =	shalt  }
0x78: {  	_ =	shalt  }
0x79: {  	_ =	shalt  }
0x7a: {  	_ =	shalt  }
0x7b: {  	_ =	shalt  }
0x7c: {  	_ =	shalt  }
0x7d: {  	_ =	shalt  }
0x7e: {  	_ =	shalt  }
0x7f: {  	_ =	shalt  }
0x80: {  	_ =	shalt  }
0x81: {  	_ =	shalt  }
0x82: {  	_ =	shalt  }
0x83: {  	_ =	shalt  }
0x84: {  	_ =	shalt  }
0x85: {  	_ =	shalt  }
0x86: {  	_ =	shalt  }
0x87: {  	_ =	shalt  }
.Lfunc_end0:
.L_simem_size_0:
called_computation_lowered:
.L_overlay_start_0:
0x88: {  	s2 =	sld [smem:$0x3FD9]  }
0x89: {  	s3 =	sld [smem:$0x3FFE];
	_ =	sdelay $0x1  }
0x8a: {  	s1 =	srdreg.scid  }
0x8b: {  	s0 =	sand.u32 $0x1, s1  }
0x8c: {  	s16 =	sshll.u32 s0, $0xA;
	s2 =	sadd.s32 s3, s2  }
0x8d: {  	s2 =	sadd.s32 s2, s16  }
0x8e: {  	[smem:$0x3FC0] =	sst s2  }
0x8f: {  	_ = 	snop  }
0x90: {  	(tm) =	ssettm $0x1  }
0x91: {  	s17 =	sld [smem:$0x3FFB];
	_ =	sdelay $0x3  }
0x92: {  	_ =	strace s17  }
0x93: {  	s2 =	sld [smem:$0x3FFC];
	_ =	sdelay $0x3  }
0x94: {  	_ =	strace s2  }
0x95: {  	s2 =	sld [smem:$0x3FFD];
	_ =	sdelay $0x3  }
0x96: {  	_ =	strace s2  }
0x97: {  	_ =	strace $0x8FFFFFFF  }
0x98: {  	s18 =	sld [smem:$0x3FDB];
	_ =	sdelay $0x1  }
0x99: {  	s19 =	simm.s32 $_scs_section_size  }
0x9a: {  	s4 =	simm.s32 $_size__tile_overlayer_lowered;
	s5 =	simm.s32 $_tile_overlayer_lowered  }
0x9b: {  	s22 =	simm.s32 $0x1BFF;
	s21 =	sshll.u32 s5, $0x1;
	s2 =	sadd.s32 s19, s18  }
0x9c: {  	s6 =	simm.s32 $0x0;
	s20 =	sshll.u32 s4, $0x1;
	s4 =	sadd.s32 s21, s2  }
0x9d: {  	[timem:s6], [sflag:s22] =	dma.local [hbm:s4], s20  }
0x9e: {  	_ =	swait.ge [sflag:s22], s20  }
0x9f: {  	s3 =	ssub.s32 $0x0, s20;
	[sflag:s22] =	ssyncset.done $0x0  }
0xa0: {  	[sflag:s22] =	ssyncadd.s32 s3;
	_ =	sdelay $0x1  }
0xa1: {  	s23 =	simm.s32 $0x1B8B  }
0xa2: {  	_ =	swait.ge [sflag:s23], $0x1  }
0xa3: {  	[sflag:s23] =	ssyncset.done $0x0  }
0xa4: {  	s25 =	simm.s32 $0x1B8E;
	s24 =	sld [smem:$0x3FFE];
	[sflag:s23] =	ssyncadd.s32 $0xFFFFFFFF  }
0xa5: {  	s26 =	simm.s32 $execute0_lowered;
	[smem:$0x3FD2] =	sst s25  }
0xa6: {  	s4 =	sshll.u32 s26, $0x1;
	_ =	strace $0x80000046;
	[dreg:$0x1] =	wrdreg $0xFFFFFFFF  }
0xa7: {  	s28 =	simm.s32 $_size_execute0_lowered;
	s2 =	sadd.s32 s2, s4;
	[dreg:$0x0] =	wrdreg $0x0  }
0xa8: {  	s4 =	sshll.u32 s28, $0x1;
	[dreg:$0x2] =	wrdreg s2  }
0xa9: {  	[dreg:$0x3] =	wrdreg s4  }
0xaa: {  	[dreg:$0x4] =	wrdreg $0xC0  }
0xab: {  	_ =	task [dreg:s6], $0x5FFFF  }
0xac: {  	[dreg:$0x1] =	wrdreg $0xFFFFFFFF  }
0xad: {  	[dreg:$0x0] =	wrdreg $0x60  }
0xae: {  	[dreg:$0x2] =	wrdreg s24  }
0xaf: {  	[dreg:$0x3] =	wrdreg $0xCB200  }
0xb0: {  	[dreg:$0x4] =	wrdreg $0x9  }
0xb1: {  	_ =	task.clear_ibuf [dreg:s6], $0x5FFFF;
	_ =	strace $0x90000046  }
0xb2: {  	s29 =	simm.s32 $0x9;
	_ =	strace $0x80000048  }
0xb3: {  	_ =	swait.ge [sflag:s29], $0x1  }
0xb4: {  	[sflag:s29] =	ssyncadd.s32 $0xFFFFFFFF  }
0xb5: {  	_ =	strace $0x90000048  }
0xb6: {  	_ =	sfence  }
0xb7: {  	s30 =	sld [smem:$0x0];
	_ =	sdelay $0x2  }
0xb8: {  	s31 =	sshll.u32 s1, $0xD;
	s1 =	sshrl.u32 s1, $0x2  }
0xb9: {  	s3 =	sand.u32 $0x4000, s31;
	s1 =	sadd.s32 s1, s30  }
0xba: {  	s0 =	sor.u32 s3, s0;
	s1 =	sshll.u32 s1, $0x11  }
0xbb: {  	s0 =	sor.u32 s1, s0  }
0xbc: {  	s0 =	sadd.s32 $0x8F2B, s0  }
0xbd: {  	[sflag:s0] =	ssyncadd.remote.s32 $0x1  }
0xbe: {  	_ =	sfence.sel $0xFFFF  }
0xbf: {  	[dreg:$0x0] =	wrdreg $0xFFFFFFFF;
	(pc) =	sbr.abs _section_cstart, $3  }
0xc0: {  	[dreg:$0x1] =	wrdreg $0xFFFFFFFF  }
0xc1: {  	_ =	task.clear_ibuf [dreg:s6], $0x2FFFF;
	_ =	strace $0x9FFFFFFF  }
0xc2: {  	(tm) =	ssettm $0x7FFFFFFF  }
0xc3: {  	_ =	shalt  }
tec
execute0_lowered:
.L_overlay_start_1:
0x0: {  	(tag) =	ssettag $0x1  }
0x1: {  	s0 =	rddreg [dreg:$0x0];
	s1 =	srdreg.scid  }
0x2: {  	s2 =	rddreg [dreg:$0x1];
	s9 =	stileid.u32;
	s3 =	simm.s32 $0x0  }
0x3: {  	s17 =	simm.s32 $0xC;
	s18 =	simm.s32 $0x4E20;
	s19 =	simm.s32 $0xB  }
0x4: {  	s20 =	simm.s32 $0x50;
	s28 =	simm.s32 $0x1;
	s29 =	simm.s32 $0x10  }
0x5: {  	s30 =	simm.s32 $0x0;
	s1 =	sand.u32 $0x1, s1;
	s6 =	smul.u32 $0x13880, s9  }
0x6: {  	[smem:$0x7FF] =	sst s3;
	s4 =	sadd.s32 $0x15200, s0;
	s8 =	smul.u32 $0x30D40, s9  }
0x7: {  	s16 =	sadd.s32 $0x1800, s0;
	s24 =	sshll.u32 s9, $0x1;
	s5 =	smul.u32 $0x138800, s1  }
0x8: {  	s11 =	smul.u32 $0x4E20, s9;
	_ =	strace $0x80000047;
	s7 =	ssub.s32 $0x2, s1  }
0x9: {  	s25 =	sshrl.u32 s7, $0x1;
	s26 =	sshrl.u32 s8, $0x2;
	s5 =	sadd.s32 s6, s5  }
0xa: {  	s6 =	sor.u32 s1, s24;
	s15 =	ssub.s32 s7, s25;
	s1 =	smul.u32 $0x2710, s1  }
0xb: {  	s25 =	simm.s32 $0x9920;
	s5 =	sshrl.u32 s5, $0x3;
	s6 =	smul.u32 $0x2710, s6  }
0xc: {  	s15 =	smax.u32 s15, $0x1;
	s0 =	sadd.s32 s5, s0;
	s5 =	sadd.s32 s26, s2  }
0xd: {  	s1 =	sadd.s32 s1, s11;
	s26 =	simm.s32 $0xA;
	s6 =	sshrl.u32 s6, $0x3  }
0xe: {  	s7 =	sadd.s32 $0x1900, s5;
	s8 =	sadd.s32 $0x3200, s5;
	s9 =	sadd.s32 $0x4B00, s5  }
0xf: {  	s10 =	sadd.s32 $0x6400, s5;
	s11 =	sadd.s32 $0x7D00, s5;
	s1 =	sadd.s32 $0x4E200, s1  }
0x10: {  	s12 =	sadd.s32 $0x9600, s5;
	s13 =	sadd.s32 $0xAF00, s5;
	s31 =	sshrl.u32 s1, $0x3  }
0x11: {  	v0 =	vimm.f32 $0.0e+00;
	s14 =	sadd.s32 $0x2DA00, s0;
	s6 =	sadd.s32 s16, s6;
	s16 =	sadd.s32 s31, s16  }
.LBB2_1:
0x12: {  	[tilespmem:s3], [sflag:$0xC] =	stream.linear.gather [hbm4b:s6+s3], $0x2710, $0x38;
	[tilespmem:$0x18E70] =	vst v63  }
0x13: {  	_ =	swait.ge [sflag:s17], $0x2710  }
0x14: {  	s1 =	simm.s32 $0x2710;
	[sflag:s17] =	ssyncset.done $0x0  }
0x15: {  	s0 =	sadd.s32 $0x0, s16;
	s21 =	simm.s32 $0xA;
	[sflag:s17] =	ssyncadd.s32 $0xFFFFD8F0  }
0x16: {  	[tilespmem:s1], [sflag:$0xB] =	stream.linear.gather [hbm4b:s0+s3], $0x50, $0x38;
	[tilespmem:$0x18E70] =	vst v63  }
.LBB2_2:
0x17: {  	p0 =	sne.s32 s21, $0x4D8  }
.Ltmp0:
0x18: {  	_ = 	snop;
	(pc) =	sbr.rel @p0 .LBB2_2-.Ltmp0, $4  }
0x19: {  	_ = 	snop  }
0x1a: {  	s22 =	sadd.s32 s21, s16;
	s1 =	sadd.s32 $0x50, s1  }
0x1b: {  	s0 =	simm.s32 $0x0;
	s21 =	sadd.s32 $0xA, s21  }
0x1c: {  	[tilespmem:s1], [sflag:$0xB] =	stream.linear.gather [hbm4b:s22+s0], $0x50, $0x38;
	[tilespmem:$0x18E70] =	vst v63  }
0x1d: {  	s1 =	smul.u32 $0xCCCD, s0;
	_ =	sdelay $0x1  }
0x1e: {  	s21 =	sshrl.u32 s1, $0x12  }
0x1f: {  	s1 =	simm.s32 $0x1;
	s22 =	smul.u32 $0x5, s21  }
.LBB2_4:
0x20: {  	s31 =	smul.u32 $0xCCCD, s1  }
0x21: {  	s23 =	smov.u32 s1;
	s21 =	smul.u32 $0x140, s21;
	p0 =	sne.s32 s1, $0x18F  }
.Ltmp1:
0x22: {  	s0 =	ssub.s32 s0, s22;
	(pc) =	sbr.rel @p0 .LBB2_4-.Ltmp1, $4  }
0x23: {  	s1 =	sadd.s32 $0x1, s1;
	s0 =	sand.u32 $0xFFFF, s0  }
0x24: {  	s22 =	sshrl.u32 s21, $0x2;
	s24 =	sshll.u32 s0, $0x4;
	s0 =	smov.u32 s23  }
0x25: {  	s21 =	sshrl.u32 s31, $0x12;
	s23 =	sadd.s32 s24, s22  }
0x26: {  	s22 =	smul.u32 $0x5, s21;
	[tilespmem:s23+$0x4E20] =	vst v0  }
0x27: {  	_ = 	snop  }
0x28: {  	s1 =	smul.u32 $0x140, s21;
	s0 =	ssub.s32 s0, s22  }
0x29: {  	s0 =	sand.u32 $0xFFFF, s0  }
0x2a: {  	s1 =	sshrl.u32 s1, $0x2;
	s0 =	sshll.u32 s0, $0x4  }
0x2b: {  	s0 =	sadd.s32 s0, s1  }
0x2c: {  	[tilespmem:s0+$0x4E20] =	vst v0  }
0x2d: {  	[spmem:s5] =	stream.linear.scatter [tilespmem:s18], [sflag:$0xC], $0x1900, $0x38;
	[tilespmem:$0x18E70] =	vst v63  }
0x2e: {  	_ =	swait.ge [sflag:s17], $0x1900  }
0x2f: {  	[sflag:s17] =	ssyncset.done $0x0  }
0x30: {  	[sflag:s17] =	ssyncadd.s32 $0xFFFFE700  }
0x31: {  	[spmem:s7] =	stream.linear.scatter [tilespmem:s18], [sflag:$0xC], $0x1900, $0x38;
	[tilespmem:$0x18E70] =	vst v63  }
0x32: {  	_ =	swait.ge [sflag:s17], $0x1900  }
0x33: {  	[sflag:s17] =	ssyncset.done $0x0  }
0x34: {  	[sflag:s17] =	ssyncadd.s32 $0xFFFFE700  }
0x35: {  	[spmem:s8] =	stream.linear.scatter [tilespmem:s18], [sflag:$0xC], $0x1900, $0x38;
	[tilespmem:$0x18E70] =	vst v63  }
0x36: {  	_ =	swait.ge [sflag:s17], $0x1900  }
0x37: {  	[sflag:s17] =	ssyncset.done $0x0  }
0x38: {  	[sflag:s17] =	ssyncadd.s32 $0xFFFFE700  }
0x39: {  	[spmem:s9] =	stream.linear.scatter [tilespmem:s18], [sflag:$0xC], $0x1900, $0x38;
	[tilespmem:$0x18E70] =	vst v63  }
0x3a: {  	_ =	swait.ge [sflag:s17], $0x1900  }
0x3b: {  	[sflag:s17] =	ssyncset.done $0x0  }
0x3c: {  	[sflag:s17] =	ssyncadd.s32 $0xFFFFE700  }
0x3d: {  	[spmem:s10] =	stream.linear.scatter [tilespmem:s18], [sflag:$0xC], $0x1900, $0x38;
	[tilespmem:$0x18E70] =	vst v63  }
0x3e: {  	_ =	swait.ge [sflag:s17], $0x1900  }
0x3f: {  	[sflag:s17] =	ssyncset.done $0x0  }
0x40: {  	[sflag:s17] =	ssyncadd.s32 $0xFFFFE700  }
0x41: {  	[spmem:s11] =	stream.linear.scatter [tilespmem:s18], [sflag:$0xC], $0x1900, $0x38;
	[tilespmem:$0x18E70] =	vst v63  }
0x42: {  	_ =	swait.ge [sflag:s17], $0x1900  }
0x43: {  	[sflag:s17] =	ssyncset.done $0x0  }
0x44: {  	[sflag:s17] =	ssyncadd.s32 $0xFFFFE700  }
0x45: {  	[spmem:s12] =	stream.linear.scatter [tilespmem:s18], [sflag:$0xC], $0x1900, $0x38;
	[tilespmem:$0x18E70] =	vst v63  }
0x46: {  	_ =	swait.ge [sflag:s17], $0x1900  }
0x47: {  	[sflag:s17] =	ssyncset.done $0x0  }
0x48: {  	[sflag:s17] =	ssyncadd.s32 $0xFFFFE700  }
0x49: {  	[spmem:s13] =	stream.linear.scatter [tilespmem:s18], [sflag:$0xC], $0x1450, $0x38;
	[tilespmem:$0x18E70] =	vst v63  }
0x4a: {  	_ =	swait.ge [sflag:s17], $0x1450  }
0x4b: {  	[sflag:s17] =	ssyncset.done $0x0  }
0x4c: {  	[sflag:s17] =	ssyncadd.s32 $0xFFFFEBB0  }
0x4d: {  	_ =	swait.ge [sflag:s19], $0x50  }
0x4e: {  	s0 =	simm.s32 $0x7C;
	[sflag:s19] =	ssyncset.done $0x0  }
.LBB2_6:
0x4f: {  	p0 =	sne.s32 s0, $0x1;
	s0 =	sadd.s32 $0xFFFFFFFF, s0;
	[sflag:s19] =	ssyncadd.s32 $0xFFFFFFB0  }
.Ltmp2:
0x50: {  	(pc) =	sbr.rel @p0 .LBB2_6-.Ltmp2, $3  }
0x51: {  	_ =	sdelay $0x1  }
0x52: {  	_ =	swait.ge [sflag:s19], $0x50  }
0x53: {  	[sflag:s19] =	ssyncset.done $0x0  }
0x54: {  	[sflag:s19] =	ssyncadd.s32 $0xFFFFFFB0  }
0x55: {  	s31 =	simm.s32 $0x0;
	[bflag:$0x0] =	sbarrier.arrive $0xFFFF  }
0x56: {  	[tilespmem:s18], [sflag:$0x1] =	stream.indirect.gather [hbm4b:s4+s20], $0x50, s31, s20, $0xb8;
	[tilespmem:$0x18E70] =	vst v63  }
0x57: {  	s0 =	simm.s32 $0x6720  }
0x58: {  	[tilespmem:s0], [sflag:$0x2] =	stream.indirect.gather [hbm4b:s4+s20], $0x50, s20, s20, $0xb8;
	[tilespmem:$0x18E70] =	vst v63  }
0x59: {  	s23 =	simm.s32 $0xA0;
	s1 =	simm.s32 $0x8020  }
0x5a: {  	[tilespmem:s1], [sflag:$0x3] =	stream.indirect.gather [hbm4b:s4+s20], $0x50, s23, s20, $0xb8;
	[tilespmem:$0x18E70] =	vst v63  }
0x5b: {  	s24 =	simm.s32 $0xF0;
	s0 =	simm.s32 $0x2710;
	s1 =	simm.s32 $0x140  }
0x5c: {  	[tilespmem:s25], [sflag:$0x4] =	stream.indirect.gather [hbm4b:s4+s20], $0x50, s24, s20, $0xb8;
	[tilespmem:$0x18E70] =	vst v63  }
.LBB2_8:
0x5d: {  	s21 =	smul.u32 $0xCD, s31;
	_ =	sdelay $0x1  }
0x5e: {  	s22 =	sadd.s32 $0x334, s21  }
0x5f: {  	s22 =	sshrl.u32 s22, $0xA  }
0x60: {  	s22 =	sand.u32 $0x3F, s22  }
0x61: {  	s22 =	smul.u32 $0x5, s22;
	_ =	sdelay $0x1  }
0x62: {  	s22 =	ssub.s32 s31, s22  }
0x63: {  	s22 =	sadd.s32 $0x4, s22  }
0x64: {  	p0 =	seq.s32 s31, $0x0;
	s22 =	sand.u32 $0xFF, s22  }
0x65: {  	s21 =	sshrl.u32 s21, $0xA;
	s23 =	sadd.s32 @!p0 $0x6, s22  }
0x66: {  	p1 =	sgt.u32 @!p0 s31, $0x78;
	s21 =	sand.u32 $0x3F, s21;
	_ =	swait.ge @!p0 [sflag:s23], $0x1900  }
0x67: {  	p1 =	por p0, !p1;
	s21 =	smul.u32 $0x5, s21;
	[sflag:s23] =	ssyncset.done @!p0 $0x0  }
0x68: {  	[sflag:s23] =	ssyncadd.s32 @!p0 $0xFFFFE700;
	s23 =	smul.u32 @p1 $0x6400, s22  }
0x69: {  	s21 =	ssub.s32 s31, s21  }
0x6a: {  	s21 =	sand.u32 $0xFF, s21;
	s23 =	sshrl.u32 @p1 s23, $0x2  }
0x6b: {  	s31 =	sadd.s32 $0x1, s31;
	s22 =	sadd.s32 @p1 $0x1, s22;
	s23 =	sadd.s32 @p1 $0x4E20, s23  }
0x6c: {  	[tilespmem:s23], [sflag:s22] =	stream.indirect.gather @p1 [hbm4b:s4+s20], $0x50, s1, s20, $0xb8;
	[tilespmem:$0x18E70] =	vst v63  }
0x6d: {  	s24 =	sadd.s32 $0x1, s21;
	p0 =	sne.s32 s31, $0x7D;
	s23 =	smul.u32 $0x6400, s21  }
.Ltmp3:
0x6e: {  	_ =	swait.ge [sflag:s24], $0x1900;
	(pc) =	sbr.rel @p0 .LBB2_8-.Ltmp3, $4  }
0x6f: {  	s22 =	sshrl.u32 s23, $0x2;
	[sflag:s24] =	ssyncset.done $0x0  }
0x70: {  	s21 =	sadd.s32 $0x6, s21;
	s22 =	sadd.s32 $0x4E20, s22;
	[sflag:s24] =	ssyncadd.s32 $0xFFFFE700  }
0x71: {  	[spmem:s2] =	stream.indirect.scatter.add.f32 [tilespmem:s22], [sflag:s21], $0x50, s0, s20, $0xb8;
	[tilespmem:$0x18E70] =	vst v63  }
0x72: {  	s1 =	sadd.s32 $0x50, s1;
	s0 =	sadd.s32 $0x50, s0  }
0x73: {  	_ =	swait.ge [sflag:s26], $0x1900;
	s0 =	stileid.u32  }
0x74: {  	s1 =	sshrl.u32 s5, $0x3;
	s30 =	sadd.s32 $0x1, s30;
	[sflag:s26] =	ssyncset.done $0x0  }
0x75: {  	s0 =	sshll.u32 s0, $0x6;
	p0 =	sne.s32 s30, s15;
	[sflag:s26] =	ssyncadd.s32 $0xFFFFE700  }
.Ltmp4:
0x76: {  	s0 =	sor.u32 $0x1C0C, s0;
	[bflag:$0x0] =	sbarrier.arrive $0xFFFF;
	(pc) =	sbr.rel @p0 .LBB2_1-.Ltmp4, $4  }
0x77: {  	[hbm:s14@s29], [sflag:s0] =	dma.strided [spmem:s1@s26], $0x186A, s28, $0xa   }
0x78: {  	_ =	swait.ge [sflag:s17], $0x186A  }
0x79: {  	[sflag:s17] =	ssyncset.done $0x0  }
0x7a: {  	[sflag:s17] =	ssyncadd.s32 $0xFFFFE796  }
0x7b: {  	_ =	sfence.sel $0x180000  }
0x7c: {  	[bflag:$0x0] =	sbarrier.arrive $0xFFFF  }
0x7d: {  	_ =	strace $0x90000047  }
0x7e: {  	s0 =	stileid.u32;
	[bflag:$0x2] =	sbarrier.arrive $0xFFFF  }
0x7f: {  	p0 =	sne.s32 s0, $0x0;
	s0 =	rddreg [dreg:$0x2]  }
0x80: {  	s0 =	sadd.s32 @!p0 $0x100000, s0  }
0x81: {  	[sflag:s0] =	ssyncadd.tile.s32 @!p0 $0x1;
	_ =	shalt  }
.Lfunc_end2:
_tile_overlayer_lowered:
.L_overlay_start_2:
0x82: {  	(tag) =	ssettag $0x2  }
0x83: {  	s0 =	rddreg [dreg:$0x0];
	s2 =	stileid.u32  }
0x84: {  	s1 =	rddreg [dreg:$0x1];
	p0 =	sne.s32 s2, $0x0  }
0x85: {  	s3 =	rddreg [dreg:$0x2];
	[bflag:$0x3] =	sbarrier.arrive $0xFFFF;
	s2 =	simm.s32 @!p0 $0x1C0C  }
0x86: {  	[timem:s3], [sflag:s2] =	dma.local @!p0 [hbm:s0], s1  }
0x87: {  	s0 =	simm.s32 @!p0 $0xC  }
0x88: {  	_ =	swait.ge @!p0 [sflag:s0], s1  }
0x89: {  	s1 =	ssub.s32 @!p0 $0x0, s1;
	[sflag:s0] =	ssyncset.done @!p0 $0x0  }
0x8a: {  	[sflag:s0] =	ssyncadd.s32 @!p0 s1  }
0x8b: {  	[bflag:$0x3] =	sbarrier.arrive $0xFFFF  }
0x8c: {  	_ =	shalt  }

</sc_bundles>
